<compile_context>
chip_gen: v7x
topology: tpu7x:2x2x1
jax: 0.10.2.dev20260603
libtpu: 0.0.44.dev20260713+nightly
codegen_flags: <defaults>
</compile_context>

<pallas_src>
import functools

import jax
import jax.numpy as jnp
from jax import lax
from jax.experimental import pallas as pl
from jax.experimental.pallas import tpu as pltpu
from jax.experimental.pallas import tpu_sc as plsc

F = 64
B = 1024
FTS = 128
U1 = 256
U2 = 128
DIM = 32
EMB = 8192

CHUNK = 1024
NCHUNK = EMB // CHUNK

NC = 2
NS = 16
NW = NC * NS
BPW = (F * B) // NW
GCH = 128
NGCH = BPW // GCH


def _encode_body(x_hbm, w1_ref, b1_ref, w2_ref, b2_ref, w3_ref, b3_ref,
                 cb_ref, idx_ref, xbuf, sem):
    f = pl.program_id(0)
    p = f % 2

    @pl.when(f == 0)
    def _():
        pltpu.make_async_copy(x_hbm.at[:, 0, :], xbuf.at[0], sem.at[0]).start()

    @pl.when(f + 1 < F)
    def _():
        pltpu.make_async_copy(x_hbm.at[:, f + 1, :], xbuf.at[1 - p],
                              sem.at[1 - p]).start()

    pltpu.make_async_copy(x_hbm.at[:, f, :], xbuf.at[p], sem.at[p]).wait()
    x = xbuf[p]
    h = jnp.maximum(
        jnp.dot(x, w1_ref[0], preferred_element_type=jnp.float32)
        + b1_ref[0], 0.0)
    h = jnp.maximum(
        jnp.dot(h, w2_ref[0], preferred_element_type=jnp.float32)
        + b2_ref[0], 0.0)
    z = jnp.maximum(
        jnp.dot(h, w3_ref[0], preferred_element_type=jnp.float32)
        + b3_ref[0], 0.0)
    z_aug = jnp.concatenate(
        [z, jnp.full((B, 1), -1.0, jnp.float32),
         jnp.zeros((B, 7), jnp.float32)], axis=1)
    runbest = jnp.full((B, 128), -jnp.inf, dtype=jnp.float32)
    runtile = jnp.zeros((B, 128), dtype=jnp.float32)
    ntile = CHUNK // 128
    for c in range(NCHUNK):
        cb = cb_ref[:, c * CHUNK:(c + 1) * CHUNK]
        csq2 = 0.5 * jnp.sum(cb * cb, axis=0, keepdims=True)
        cb_aug = jnp.concatenate(
            [cb, csq2, jnp.zeros((7, CHUNK), jnp.float32)], axis=0)
        s2 = jnp.dot(z_aug, cb_aug, preferred_element_type=jnp.float32)
        for t in range(ntile):
            st = s2[:, t * 128:(t + 1) * 128]
            upd = st > runbest
            runbest = jnp.where(upd, st, runbest)
            runtile = jnp.where(upd, float(c * ntile + t), runtile)
    best = jnp.max(runbest, axis=1, keepdims=True)
    lane = lax.broadcasted_iota(jnp.int32, (B, 128), 1).astype(jnp.float32)
    colg = runtile * 128.0 + lane
    cand = jnp.min(jnp.where(runbest >= best, colg, 3.0e7),
                   axis=1, keepdims=True)
    idx_ref[...] = jnp.squeeze(cand.astype(jnp.int32), 1)


def _decode_body(q_hbm, w4_ref, b4_ref, w5_ref, b5_ref, w6_ref, b6_ref,
                 o_hbm, ybuf, sem, qbuf, qsem):
    f = pl.program_id(0)
    p = f % 2

    @pl.when(f == 0)
    def _():
        pltpu.make_async_copy(q_hbm.at[pl.ds(0, B), :], qbuf.at[0],
                              qsem.at[0]).start()

    @pl.when(f + 1 < F)
    def _():
        pltpu.make_async_copy(q_hbm.at[pl.ds((f + 1) * B, B), :],
                              qbuf.at[1 - p], qsem.at[1 - p]).start()

    @pl.when(f >= 2)
    def _():
        pltpu.make_async_copy(ybuf.at[p], o_hbm.at[:, f - 2, :],
                              sem.at[p]).wait()

    pltpu.make_async_copy(q_hbm.at[pl.ds(f * B, B), :], qbuf.at[p],
                          qsem.at[p]).wait()
    q = qbuf[p]
    h = jnp.maximum(
        jnp.dot(q, w4_ref[0], preferred_element_type=jnp.float32)
        + b4_ref[0], 0.0)
    h = jnp.maximum(
        jnp.dot(h, w5_ref[0], preferred_element_type=jnp.float32)
        + b5_ref[0], 0.0)
    y = jnp.dot(h, w6_ref[0], preferred_element_type=jnp.float32) + b6_ref[0]
    ybuf[p] = 1.0 / (1.0 + jnp.exp(-y))
    pltpu.make_async_copy(ybuf.at[p], o_hbm.at[:, f, :], sem.at[p]).start()

    @pl.when(f == F - 1)
    def _():
        pltpu.make_async_copy(ybuf.at[1 - p], o_hbm.at[:, f - 1, :],
                              sem.at[1 - p]).wait()
        pltpu.make_async_copy(ybuf.at[p], o_hbm.at[:, f, :],
                              sem.at[p]).wait()


@functools.cache
def _gather_rows_kernel():
    mesh = plsc.VectorSubcoreMesh(core_axis_name="c", subcore_axis_name="s",
                                  num_cores=NC)

    @functools.partial(
        pl.kernel,
        mesh=mesh,
        out_type=jax.ShapeDtypeStruct((F * B, DIM), jnp.float32),
        scratch_types=[
            pltpu.VMEM((NGCH, GCH), jnp.int32),
            pltpu.VMEM((BPW, DIM), jnp.float32),
            pltpu.SemaphoreType.DMA,
        ],
        compiler_params=pltpu.CompilerParams(use_tc_tiling_on_sc=False),
    )
    def _gather_rows(table_hbm, idx_hbm, out_hbm, idx_v, rows_v, sem):
        wid = lax.axis_index("s") * NC + lax.axis_index("c")
        pltpu.sync_copy(idx_hbm.at[wid], idx_v)
        copies = [
            pltpu.async_copy(table_hbm.at[idx_v.at[j]],
                             rows_v.at[pl.ds(j * GCH, GCH)], sem)
            for j in range(NGCH)
        ]
        for cp in copies:
            cp.wait()
        pltpu.sync_copy(rows_v, out_hbm.at[pl.ds(wid * BPW, BPW)])

    return _gather_rows


def _encode_call(x3d, W1, b1r, W2, b2r, W3, b3r, codebook, interpret=False):
    return pl.pallas_call(
        _encode_body,
        grid=(F,),
        in_specs=[
            pl.BlockSpec(memory_space=pl.ANY),
            pl.BlockSpec((1, FTS, U1), lambda f: (f, 0, 0)),
            pl.BlockSpec((1, 1, U1), lambda f: (f, 0, 0)),
            pl.BlockSpec((1, U1, U2), lambda f: (f, 0, 0)),
            pl.BlockSpec((1, 1, U2), lambda f: (f, 0, 0)),
            pl.BlockSpec((1, U2, DIM), lambda f: (f, 0, 0)),
            pl.BlockSpec((1, 1, DIM), lambda f: (f, 0, 0)),
            pl.BlockSpec((DIM, EMB), lambda f: (0, 0)),
        ],
        out_specs=pl.BlockSpec((B,), lambda f: (f,)),
        out_shape=jax.ShapeDtypeStruct((F * B,), jnp.int32),
        scratch_shapes=[
            pltpu.VMEM((2, B, FTS), jnp.float32),
            pltpu.SemaphoreType.DMA((2,)),
        ],
        compiler_params=pltpu.CompilerParams(
            dimension_semantics=("arbitrary",)),
        interpret=interpret,
    )(x3d, W1, b1r, W2, b2r, W3, b3r, codebook)


def _decode_call(q3, W4, b4r, W5, b5r, W6, b6r, interpret=False):
    return pl.pallas_call(
        _decode_body,
        grid=(F,),
        in_specs=[
            pl.BlockSpec(memory_space=pl.ANY),
            pl.BlockSpec((1, DIM, U2), lambda f: (f, 0, 0)),
            pl.BlockSpec((1, 1, U2), lambda f: (f, 0, 0)),
            pl.BlockSpec((1, U2, U1), lambda f: (f, 0, 0)),
            pl.BlockSpec((1, 1, U1), lambda f: (f, 0, 0)),
            pl.BlockSpec((1, U1, FTS), lambda f: (f, 0, 0)),
            pl.BlockSpec((1, 1, FTS), lambda f: (f, 0, 0)),
        ],
        out_specs=pl.BlockSpec(memory_space=pl.ANY),
        out_shape=jax.ShapeDtypeStruct((B, F, FTS), jnp.float32),
        scratch_shapes=[
            pltpu.VMEM((2, B, FTS), jnp.float32),
            pltpu.SemaphoreType.DMA((2,)),
            pltpu.VMEM((2, B, DIM), jnp.float32),
            pltpu.SemaphoreType.DMA((2,)),
        ],
        compiler_params=pltpu.CompilerParams(
            dimension_semantics=("arbitrary",)),
        interpret=interpret,
    )(q3, W4, b4r, W5, b5r, W6, b6r)


def kernel(inputs, W1, b1, W2, b2, W3, b3, W4, b4, W5, b5, W6, b6, codebook):
    idx = _encode_call(inputs, W1, b1.reshape(F, 1, U1),
                       W2, b2.reshape(F, 1, U2),
                       W3, b3.reshape(F, 1, DIM), codebook)
    table = codebook.T
    quant = _gather_rows_kernel()(table, idx.reshape(NW, NGCH, GCH))
    return _decode_call(quant,
                        W4, b4.reshape(F, 1, U2), W5, b5.reshape(F, 1, U1),
                        W6, b6.reshape(F, 1, FTS))

# --- scband reference (transcript-rebuilt; emitter-appended) ---
"""Pipeline reference for scband-vq-vae-51634096833039 (READ-ONLY COPY).

The authoritative reference and input builder live on the scoring server;
editing this copy changes nothing except your own understanding.
"""

import jax, jax.numpy as jnp
import numpy as np

F = 64
B = 1024
FTS = 128
U1 = 256
U2 = 128
DIM = 32
EMB = 8192


def _fat_dense(x, W, b):
    # x: [F, B, in], W: [F, in, out], b: [F, out] -> per-feature dense
    return jnp.einsum('fbi,fio->fbo', x, W) + b[:, None, :]


def setup_inputs(seed: int = 0) -> dict:
    key = jax.random.key(seed)
    ks = jax.random.split(key, 16)
    inputs = jax.random.uniform(ks[0], (B, F, FTS), dtype=jnp.float32)
    def w(k, shape, fan_in):
        return jax.random.normal(k, shape, dtype=jnp.float32) * (1.0 / np.sqrt(fan_in))
    W1 = w(ks[1], (F, FTS, U1), FTS); b1 = jnp.zeros((F, U1), jnp.float32)
    W2 = w(ks[2], (F, U1, U2), U1);   b2 = jnp.zeros((F, U2), jnp.float32)
    W3 = w(ks[3], (F, U2, DIM), U2);  b3 = jnp.zeros((F, DIM), jnp.float32)
    W4 = w(ks[4], (F, DIM, U2), DIM); b4 = jnp.zeros((F, U2), jnp.float32)
    W5 = w(ks[5], (F, U2, U1), U2);   b5 = jnp.zeros((F, U1), jnp.float32)
    W6 = w(ks[6], (F, U1, FTS), U1);  b6 = jnp.zeros((F, FTS), jnp.float32)
    codebook = jax.random.normal(ks[7], (DIM, EMB), dtype=jnp.float32) * 0.05
    return {"inputs": inputs, "W1": W1, "b1": b1, "W2": W2, "b2": b2,
            "W3": W3, "b3": b3, "W4": W4, "b4": b4, "W5": W5, "b5": b5,
            "W6": W6, "b6": b6, "codebook": codebook}


def reference(inputs, W1, b1, W2, b2, W3, b3, W4, b4, W5, b5, W6, b6, codebook):
    # inputs: [B, F, FTS] -> transpose to [F, B, FTS]
    x = jnp.transpose(inputs, (1, 0, 2))
    x = jax.nn.relu(_fat_dense(x, W1, b1))
    x = jax.nn.relu(_fat_dense(x, W2, b2))
    z = jax.nn.relu(_fat_dense(x, W3, b3))  # [F, B, DIM]
    # VectorQuantizerEMA forward (inference path): nearest-codebook quantization
    flat = z.reshape(-1, DIM)  # [F*B, DIM]
    distances = (jnp.sum(flat ** 2, axis=1, keepdims=True)
                 - 2.0 * flat @ codebook
                 + jnp.sum(codebook ** 2, axis=0, keepdims=True))  # [F*B, EMB]
    enc_idx = jnp.argmin(distances, axis=1)  # [F*B]
    quantized = jnp.take(codebook.T, enc_idx, axis=0).reshape(z.shape)
    # straight-through estimator
    q = z + jax.lax.stop_gradient(quantized - z)
    x = jax.nn.relu(_fat_dense(q, W4, b4))
    x = jax.nn.relu(_fat_dense(x, W5, b5))
    x = jax.nn.sigmoid(_fat_dense(x, W6, b6))  # [F, B, FTS]
    return jnp.transpose(x, (1, 0, 2))  # [B, F, FTS]

if __name__ == "__main__":
    import jax
    _d = setup_inputs()
    print(jax.jit(kernel)(*tuple(_d.values())))

</pallas_src>

<mosaic_0001>
#map = affine_map<(d0, d1) -> (0, 0)>
#map1 = affine_map<(d0, d1) -> (0, 0, 0)>
module attributes {stable_mosaic.version = 14 : i64} {
  func.func @_gather_rows(%arg0: i32, %arg1: i32, %arg2: memref<8192x32xf32, #tpu.memory_space<hbm>>, %arg3: memref<32x16x128xi32, #tpu.memory_space<hbm>>, %arg4: memref<65536x32xf32, #tpu.memory_space<hbm>>, %arg5: memref<16x128xi32, #tpu.memory_space<vmem>>, %arg6: memref<2048x32xf32, #tpu.memory_space<vmem>>, %arg7: memref<!tpu.dma_semaphore, #tpu.memory_space<semaphore_mem>>) attributes {dimension_semantics = [#tpu.dimension_semantics<core_parallel>, #tpu.dimension_semantics<subcore_parallel>], iteration_bounds = array<i64: 2, 16>, scalar_prefetch = 0 : i64, scratch_operands = 3 : i64, tpu.core_type = #tpu.core_type<sc_vector_subcore>, window_params = [{transform_indices = #map}, {transform_indices = #map1}, {transform_indices = #map}]} {
    %mul3A = arith.constant 2 : i32
    %mul3A_0 = arith.muli %arg1, %mul3A : i32
    %add3A = arith.addi %mul3A_0, %arg0 : i32
    "tpu.region"() ({
      %run_scoped3A = tpu.sem_alloc : memref<!tpu.dma_semaphore, #tpu.memory_space<semaphore_mem>>
      %dma_start3A_321 = arith.constant 0 : i32
      %dma_start3A_322 = arith.constant 0 : i32
      %dma_start3A_323 = tpu.memref_slice %arg3[%add3A, %dma_start3A_321, %dma_start3A_322] : memref<32x16x128xi32, #tpu.memory_space<hbm>> -> memref<1x16x128xi32, #tpu.memory_space<hbm>>
      %dma_start3A_324 = tpu.memref_squeeze %dma_start3A_323 : memref<1x16x128xi32, #tpu.memory_space<hbm>> -> memref<16x128xi32, #tpu.memory_space<hbm>>
      %dma_start3A_325 = arith.constant 0 : i32
      %dma_start3A_326 = arith.constant 0 : i32
      %dma_start3A_327 = tpu.memref_slice %arg3[%add3A, %dma_start3A_325, %dma_start3A_326] : memref<32x16x128xi32, #tpu.memory_space<hbm>> -> memref<1x16x128xi32, #tpu.memory_space<hbm>>
      %dma_start3A_328 = tpu.memref_squeeze %dma_start3A_327 : memref<1x16x128xi32, #tpu.memory_space<hbm>> -> memref<16x128xi32, #tpu.memory_space<hbm>>
      tpu.enqueue_dma source(%dma_start3A_328 : memref<16x128xi32, #tpu.memory_space<hbm>>) target(%arg5 : memref<16x128xi32, #tpu.memory_space<vmem>>) target_semaphore(%run_scoped3A : memref<!tpu.dma_semaphore, #tpu.memory_space<semaphore_mem>>)
      %dma_wait3A_329 = arith.constant 0 : i32
      %dma_wait3A_330 = arith.constant 0 : i32
      %dma_wait3A_331 = tpu.memref_slice %arg3[%add3A, %dma_wait3A_329, %dma_wait3A_330] : memref<32x16x128xi32, #tpu.memory_space<hbm>> -> memref<1x16x128xi32, #tpu.memory_space<hbm>>
      %dma_wait3A_332 = tpu.memref_squeeze %dma_wait3A_331 : memref<1x16x128xi32, #tpu.memory_space<hbm>> -> memref<16x128xi32, #tpu.memory_space<hbm>>
      %dma_wait3A_333 = arith.constant 0 : i32
      %dma_wait3A_334 = arith.constant 0 : i32
      %dma_wait3A_335 = tpu.memref_slice %arg3[%add3A, %dma_wait3A_333, %dma_wait3A_334] : memref<32x16x128xi32, #tpu.memory_space<hbm>> -> memref<1x16x128xi32, #tpu.memory_space<hbm>>
      %dma_wait3A_336 = tpu.memref_squeeze %dma_wait3A_335 : memref<1x16x128xi32, #tpu.memory_space<hbm>> -> memref<16x128xi32, #tpu.memory_space<hbm>>
      tpu.wait_dma2 semaphore(%run_scoped3A : memref<!tpu.dma_semaphore, #tpu.memory_space<semaphore_mem>>) src(%dma_wait3A_336 : memref<16x128xi32, #tpu.memory_space<hbm>>) dst(%arg5 : memref<16x128xi32, #tpu.memory_space<vmem>>)
      tpu.yield
    }) : () -> ()
    %dma_start3A = arith.constant 0 : i32
    %dma_start3A_1 = arith.constant 0 : i32
    %dma_start3A_2 = arith.constant 0 : i32
    %dma_start3A_3 = tpu.memref_slice %arg6[%dma_start3A_1, %dma_start3A_2] : memref<2048x32xf32, #tpu.memory_space<vmem>> -> memref<128x32xf32, #tpu.memory_space<vmem>>
    %dma_start3A_4 = arith.constant 0 : i32
    %dma_start3A_5 = tpu.memref_slice %arg5[%dma_start3A, %dma_start3A_4] : memref<16x128xi32, #tpu.memory_space<vmem>> -> memref<1x128xi32, #tpu.memory_space<vmem>>
    %dma_start3A_6 = tpu.memref_squeeze %dma_start3A_5 : memref<1x128xi32, #tpu.memory_space<vmem>> -> memref<128xi32, #tpu.memory_space<vmem>>
    %dma_start3A_7 = arith.constant 0 : i32
    %dma_start3A_8 = arith.constant 0 : i32
    %dma_start3A_9 = tpu.memref_slice %arg2[%dma_start3A_7, %dma_start3A_8] : memref<8192x32xf32, #tpu.memory_space<hbm>> -> memref<8192x32xf32, #tpu.memory_space<hbm>>
    tpu.enqueue_indirect_dma source(%dma_start3A_9 : memref<8192x32xf32, #tpu.memory_space<hbm>>) target(%dma_start3A_3 : memref<128x32xf32, #tpu.memory_space<vmem>>) offsets(%dma_start3A_6 : memref<128xi32, #tpu.memory_space<vmem>>) semaphore(%arg7 : memref<!tpu.dma_semaphore, #tpu.memory_space<semaphore_mem>>)
    %dma_start3A_10 = arith.constant 1 : i32
    %dma_start3A_11 = arith.constant 128 : i32
    %dma_start3A_12 = arith.constant 0 : i32
    %dma_start3A_13 = tpu.memref_slice %arg6[%dma_start3A_11, %dma_start3A_12] : memref<2048x32xf32, #tpu.memory_space<vmem>> -> memref<128x32xf32, #tpu.memory_space<vmem>>
    %dma_start3A_14 = arith.constant 0 : i32
    %dma_start3A_15 = tpu.memref_slice %arg5[%dma_start3A_10, %dma_start3A_14] : memref<16x128xi32, #tpu.memory_space<vmem>> -> memref<1x128xi32, #tpu.memory_space<vmem>>
    %dma_start3A_16 = tpu.memref_squeeze %dma_start3A_15 : memref<1x128xi32, #tpu.memory_space<vmem>> -> memref<128xi32, #tpu.memory_space<vmem>>
    %dma_start3A_17 = arith.constant 0 : i32
    %dma_start3A_18 = arith.constant 0 : i32
    %dma_start3A_19 = tpu.memref_slice %arg2[%dma_start3A_17, %dma_start3A_18] : memref<8192x32xf32, #tpu.memory_space<hbm>> -> memref<8192x32xf32, #tpu.memory_space<hbm>>
    tpu.enqueue_indirect_dma source(%dma_start3A_19 : memref<8192x32xf32, #tpu.memory_space<hbm>>) target(%dma_start3A_13 : memref<128x32xf32, #tpu.memory_space<vmem>>) offsets(%dma_start3A_16 : memref<128xi32, #tpu.memory_space<vmem>>) semaphore(%arg7 : memref<!tpu.dma_semaphore, #tpu.memory_space<semaphore_mem>>)
    %dma_start3A_20 = arith.constant 2 : i32
    %dma_start3A_21 = arith.constant 256 : i32
    %dma_start3A_22 = arith.constant 0 : i32
    %dma_start3A_23 = tpu.memref_slice %arg6[%dma_start3A_21, %dma_start3A_22] : memref<2048x32xf32, #tpu.memory_space<vmem>> -> memref<128x32xf32, #tpu.memory_space<vmem>>
    %dma_start3A_24 = arith.constant 0 : i32
    %dma_start3A_25 = tpu.memref_slice %arg5[%dma_start3A_20, %dma_start3A_24] : memref<16x128xi32, #tpu.memory_space<vmem>> -> memref<1x128xi32, #tpu.memory_space<vmem>>
    %dma_start3A_26 = tpu.memref_squeeze %dma_start3A_25 : memref<1x128xi32, #tpu.memory_space<vmem>> -> memref<128xi32, #tpu.memory_space<vmem>>
    %dma_start3A_27 = arith.constant 0 : i32
    %dma_start3A_28 = arith.constant 0 : i32
    %dma_start3A_29 = tpu.memref_slice %arg2[%dma_start3A_27, %dma_start3A_28] : memref<8192x32xf32, #tpu.memory_space<hbm>> -> memref<8192x32xf32, #tpu.memory_space<hbm>>
    tpu.enqueue_indirect_dma source(%dma_start3A_29 : memref<8192x32xf32, #tpu.memory_space<hbm>>) target(%dma_start3A_23 : memref<128x32xf32, #tpu.memory_space<vmem>>) offsets(%dma_start3A_26 : memref<128xi32, #tpu.memory_space<vmem>>) semaphore(%arg7 : memref<!tpu.dma_semaphore, #tpu.memory_space<semaphore_mem>>)
    %dma_start3A_30 = arith.constant 3 : i32
    %dma_start3A_31 = arith.constant 384 : i32
    %dma_start3A_32 = arith.constant 0 : i32
    %dma_start3A_33 = tpu.memref_slice %arg6[%dma_start3A_31, %dma_start3A_32] : memref<2048x32xf32, #tpu.memory_space<vmem>> -> memref<128x32xf32, #tpu.memory_space<vmem>>
    %dma_start3A_34 = arith.constant 0 : i32
    %dma_start3A_35 = tpu.memref_slice %arg5[%dma_start3A_30, %dma_start3A_34] : memref<16x128xi32, #tpu.memory_space<vmem>> -> memref<1x128xi32, #tpu.memory_space<vmem>>
    %dma_start3A_36 = tpu.memref_squeeze %dma_start3A_35 : memref<1x128xi32, #tpu.memory_space<vmem>> -> memref<128xi32, #tpu.memory_space<vmem>>
    %dma_start3A_37 = arith.constant 0 : i32
    %dma_start3A_38 = arith.constant 0 : i32
    %dma_start3A_39 = tpu.memref_slice %arg2[%dma_start3A_37, %dma_start3A_38] : memref<8192x32xf32, #tpu.memory_space<hbm>> -> memref<8192x32xf32, #tpu.memory_space<hbm>>
    tpu.enqueue_indirect_dma source(%dma_start3A_39 : memref<8192x32xf32, #tpu.memory_space<hbm>>) target(%dma_start3A_33 : memref<128x32xf32, #tpu.memory_space<vmem>>) offsets(%dma_start3A_36 : memref<128xi32, #tpu.memory_space<vmem>>) semaphore(%arg7 : memref<!tpu.dma_semaphore, #tpu.memory_space<semaphore_mem>>)
    %dma_start3A_40 = arith.constant 4 : i32
    %dma_start3A_41 = arith.constant 512 : i32
    %dma_start3A_42 = arith.constant 0 : i32
    %dma_start3A_43 = tpu.memref_slice %arg6[%dma_start3A_41, %dma_start3A_42] : memref<2048x32xf32, #tpu.memory_space<vmem>> -> memref<128x32xf32, #tpu.memory_space<vmem>>
    %dma_start3A_44 = arith.constant 0 : i32
    %dma_start3A_45 = tpu.memref_slice %arg5[%dma_start3A_40, %dma_start3A_44] : memref<16x128xi32, #tpu.memory_space<vmem>> -> memref<1x128xi32, #tpu.memory_space<vmem>>
    %dma_start3A_46 = tpu.memref_squeeze %dma_start3A_45 : memref<1x128xi32, #tpu.memory_space<vmem>> -> memref<128xi32, #tpu.memory_space<vmem>>
    %dma_start3A_47 = arith.constant 0 : i32
    %dma_start3A_48 = arith.constant 0 : i32
    %dma_start3A_49 = tpu.memref_slice %arg2[%dma_start3A_47, %dma_start3A_48] : memref<8192x32xf32, #tpu.memory_space<hbm>> -> memref<8192x32xf32, #tpu.memory_space<hbm>>
    tpu.enqueue_indirect_dma source(%dma_start3A_49 : memref<8192x32xf32, #tpu.memory_space<hbm>>) target(%dma_start3A_43 : memref<128x32xf32, #tpu.memory_space<vmem>>) offsets(%dma_start3A_46 : memref<128xi32, #tpu.memory_space<vmem>>) semaphore(%arg7 : memref<!tpu.dma_semaphore, #tpu.memory_space<semaphore_mem>>)
    %dma_start3A_50 = arith.constant 5 : i32
    %dma_start3A_51 = arith.constant 640 : i32
    %dma_start3A_52 = arith.constant 0 : i32
    %dma_start3A_53 = tpu.memref_slice %arg6[%dma_start3A_51, %dma_start3A_52] : memref<2048x32xf32, #tpu.memory_space<vmem>> -> memref<128x32xf32, #tpu.memory_space<vmem>>
    %dma_start3A_54 = arith.constant 0 : i32
    %dma_start3A_55 = tpu.memref_slice %arg5[%dma_start3A_50, %dma_start3A_54] : memref<16x128xi32, #tpu.memory_space<vmem>> -> memref<1x128xi32, #tpu.memory_space<vmem>>
    %dma_start3A_56 = tpu.memref_squeeze %dma_start3A_55 : memref<1x128xi32, #tpu.memory_space<vmem>> -> memref<128xi32, #tpu.memory_space<vmem>>
    %dma_start3A_57 = arith.constant 0 : i32
    %dma_start3A_58 = arith.constant 0 : i32
    %dma_start3A_59 = tpu.memref_slice %arg2[%dma_start3A_57, %dma_start3A_58] : memref<8192x32xf32, #tpu.memory_space<hbm>> -> memref<8192x32xf32, #tpu.memory_space<hbm>>
    tpu.enqueue_indirect_dma source(%dma_start3A_59 : memref<8192x32xf32, #tpu.memory_space<hbm>>) target(%dma_start3A_53 : memref<128x32xf32, #tpu.memory_space<vmem>>) offsets(%dma_start3A_56 : memref<128xi32, #tpu.memory_space<vmem>>) semaphore(%arg7 : memref<!tpu.dma_semaphore, #tpu.memory_space<semaphore_mem>>)
    %dma_start3A_60 = arith.constant 6 : i32
    %dma_start3A_61 = arith.constant 768 : i32
    %dma_start3A_62 = arith.constant 0 : i32
    %dma_start3A_63 = tpu.memref_slice %arg6[%dma_start3A_61, %dma_start3A_62] : memref<2048x32xf32, #tpu.memory_space<vmem>> -> memref<128x32xf32, #tpu.memory_space<vmem>>
    %dma_start3A_64 = arith.constant 0 : i32
    %dma_start3A_65 = tpu.memref_slice %arg5[%dma_start3A_60, %dma_start3A_64] : memref<16x128xi32, #tpu.memory_space<vmem>> -> memref<1x128xi32, #tpu.memory_space<vmem>>
    %dma_start3A_66 = tpu.memref_squeeze %dma_start3A_65 : memref<1x128xi32, #tpu.memory_space<vmem>> -> memref<128xi32, #tpu.memory_space<vmem>>
    %dma_start3A_67 = arith.constant 0 : i32
    %dma_start3A_68 = arith.constant 0 : i32
    %dma_start3A_69 = tpu.memref_slice %arg2[%dma_start3A_67, %dma_start3A_68] : memref<8192x32xf32, #tpu.memory_space<hbm>> -> memref<8192x32xf32, #tpu.memory_space<hbm>>
    tpu.enqueue_indirect_dma source(%dma_start3A_69 : memref<8192x32xf32, #tpu.memory_space<hbm>>) target(%dma_start3A_63 : memref<128x32xf32, #tpu.memory_space<vmem>>) offsets(%dma_start3A_66 : memref<128xi32, #tpu.memory_space<vmem>>) semaphore(%arg7 : memref<!tpu.dma_semaphore, #tpu.memory_space<semaphore_mem>>)
    %dma_start3A_70 = arith.constant 7 : i32
    %dma_start3A_71 = arith.constant 896 : i32
    %dma_start3A_72 = arith.constant 0 : i32
    %dma_start3A_73 = tpu.memref_slice %arg6[%dma_start3A_71, %dma_start3A_72] : memref<2048x32xf32, #tpu.memory_space<vmem>> -> memref<128x32xf32, #tpu.memory_space<vmem>>
    %dma_start3A_74 = arith.constant 0 : i32
    %dma_start3A_75 = tpu.memref_slice %arg5[%dma_start3A_70, %dma_start3A_74] : memref<16x128xi32, #tpu.memory_space<vmem>> -> memref<1x128xi32, #tpu.memory_space<vmem>>
    %dma_start3A_76 = tpu.memref_squeeze %dma_start3A_75 : memref<1x128xi32, #tpu.memory_space<vmem>> -> memref<128xi32, #tpu.memory_space<vmem>>
    %dma_start3A_77 = arith.constant 0 : i32
    %dma_start3A_78 = arith.constant 0 : i32
    %dma_start3A_79 = tpu.memref_slice %arg2[%dma_start3A_77, %dma_start3A_78] : memref<8192x32xf32, #tpu.memory_space<hbm>> -> memref<8192x32xf32, #tpu.memory_space<hbm>>
    tpu.enqueue_indirect_dma source(%dma_start3A_79 : memref<8192x32xf32, #tpu.memory_space<hbm>>) target(%dma_start3A_73 : memref<128x32xf32, #tpu.memory_space<vmem>>) offsets(%dma_start3A_76 : memref<128xi32, #tpu.memory_space<vmem>>) semaphore(%arg7 : memref<!tpu.dma_semaphore, #tpu.memory_space<semaphore_mem>>)
    %dma_start3A_80 = arith.constant 8 : i32
    %dma_start3A_81 = arith.constant 1024 : i32
    %dma_start3A_82 = arith.constant 0 : i32
    %dma_start3A_83 = tpu.memref_slice %arg6[%dma_start3A_81, %dma_start3A_82] : memref<2048x32xf32, #tpu.memory_space<vmem>> -> memref<128x32xf32, #tpu.memory_space<vmem>>
    %dma_start3A_84 = arith.constant 0 : i32
    %dma_start3A_85 = tpu.memref_slice %arg5[%dma_start3A_80, %dma_start3A_84] : memref<16x128xi32, #tpu.memory_space<vmem>> -> memref<1x128xi32, #tpu.memory_space<vmem>>
    %dma_start3A_86 = tpu.memref_squeeze %dma_start3A_85 : memref<1x128xi32, #tpu.memory_space<vmem>> -> memref<128xi32, #tpu.memory_space<vmem>>
    %dma_start3A_87 = arith.constant 0 : i32
    %dma_start3A_88 = arith.constant 0 : i32
    %dma_start3A_89 = tpu.memref_slice %arg2[%dma_start3A_87, %dma_start3A_88] : memref<8192x32xf32, #tpu.memory_space<hbm>> -> memref<8192x32xf32, #tpu.memory_space<hbm>>
    tpu.enqueue_indirect_dma source(%dma_start3A_89 : memref<8192x32xf32, #tpu.memory_space<hbm>>) target(%dma_start3A_83 : memref<128x32xf32, #tpu.memory_space<vmem>>) offsets(%dma_start3A_86 : memref<128xi32, #tpu.memory_space<vmem>>) semaphore(%arg7 : memref<!tpu.dma_semaphore, #tpu.memory_space<semaphore_mem>>)
    %dma_start3A_90 = arith.constant 9 : i32
    %dma_start3A_91 = arith.constant 1152 : i32
    %dma_start3A_92 = arith.constant 0 : i32
    %dma_start3A_93 = tpu.memref_slice %arg6[%dma_start3A_91, %dma_start3A_92] : memref<2048x32xf32, #tpu.memory_space<vmem>> -> memref<128x32xf32, #tpu.memory_space<vmem>>
    %dma_start3A_94 = arith.constant 0 : i32
    %dma_start3A_95 = tpu.memref_slice %arg5[%dma_start3A_90, %dma_start3A_94] : memref<16x128xi32, #tpu.memory_space<vmem>> -> memref<1x128xi32, #tpu.memory_space<vmem>>
    %dma_start3A_96 = tpu.memref_squeeze %dma_start3A_95 : memref<1x128xi32, #tpu.memory_space<vmem>> -> memref<128xi32, #tpu.memory_space<vmem>>
    %dma_start3A_97 = arith.constant 0 : i32
    %dma_start3A_98 = arith.constant 0 : i32
    %dma_start3A_99 = tpu.memref_slice %arg2[%dma_start3A_97, %dma_start3A_98] : memref<8192x32xf32, #tpu.memory_space<hbm>> -> memref<8192x32xf32, #tpu.memory_space<hbm>>
    tpu.enqueue_indirect_dma source(%dma_start3A_99 : memref<8192x32xf32, #tpu.memory_space<hbm>>) target(%dma_start3A_93 : memref<128x32xf32, #tpu.memory_space<vmem>>) offsets(%dma_start3A_96 : memref<128xi32, #tpu.memory_space<vmem>>) semaphore(%arg7 : memref<!tpu.dma_semaphore, #tpu.memory_space<semaphore_mem>>)
    %dma_start3A_100 = arith.constant 10 : i32
    %dma_start3A_101 = arith.constant 1280 : i32
    %dma_start3A_102 = arith.constant 0 : i32
    %dma_start3A_103 = tpu.memref_slice %arg6[%dma_start3A_101, %dma_start3A_102] : memref<2048x32xf32, #tpu.memory_space<vmem>> -> memref<128x32xf32, #tpu.memory_space<vmem>>
    %dma_start3A_104 = arith.constant 0 : i32
    %dma_start3A_105 = tpu.memref_slice %arg5[%dma_start3A_100, %dma_start3A_104] : memref<16x128xi32, #tpu.memory_space<vmem>> -> memref<1x128xi32, #tpu.memory_space<vmem>>
    %dma_start3A_106 = tpu.memref_squeeze %dma_start3A_105 : memref<1x128xi32, #tpu.memory_space<vmem>> -> memref<128xi32, #tpu.memory_space<vmem>>
    %dma_start3A_107 = arith.constant 0 : i32
    %dma_start3A_108 = arith.constant 0 : i32
    %dma_start3A_109 = tpu.memref_slice %arg2[%dma_start3A_107, %dma_start3A_108] : memref<8192x32xf32, #tpu.memory_space<hbm>> -> memref<8192x32xf32, #tpu.memory_space<hbm>>
    tpu.enqueue_indirect_dma source(%dma_start3A_109 : memref<8192x32xf32, #tpu.memory_space<hbm>>) target(%dma_start3A_103 : memref<128x32xf32, #tpu.memory_space<vmem>>) offsets(%dma_start3A_106 : memref<128xi32, #tpu.memory_space<vmem>>) semaphore(%arg7 : memref<!tpu.dma_semaphore, #tpu.memory_space<semaphore_mem>>)
    %dma_start3A_110 = arith.constant 11 : i32
    %dma_start3A_111 = arith.constant 1408 : i32
    %dma_start3A_112 = arith.constant 0 : i32
    %dma_start3A_113 = tpu.memref_slice %arg6[%dma_start3A_111, %dma_start3A_112] : memref<2048x32xf32, #tpu.memory_space<vmem>> -> memref<128x32xf32, #tpu.memory_space<vmem>>
    %dma_start3A_114 = arith.constant 0 : i32
    %dma_start3A_115 = tpu.memref_slice %arg5[%dma_start3A_110, %dma_start3A_114] : memref<16x128xi32, #tpu.memory_space<vmem>> -> memref<1x128xi32, #tpu.memory_space<vmem>>
    %dma_start3A_116 = tpu.memref_squeeze %dma_start3A_115 : memref<1x128xi32, #tpu.memory_space<vmem>> -> memref<128xi32, #tpu.memory_space<vmem>>
    %dma_start3A_117 = arith.constant 0 : i32
    %dma_start3A_118 = arith.constant 0 : i32
    %dma_start3A_119 = tpu.memref_slice %arg2[%dma_start3A_117, %dma_start3A_118] : memref<8192x32xf32, #tpu.memory_space<hbm>> -> memref<8192x32xf32, #tpu.memory_space<hbm>>
    tpu.enqueue_indirect_dma source(%dma_start3A_119 : memref<8192x32xf32, #tpu.memory_space<hbm>>) target(%dma_start3A_113 : memref<128x32xf32, #tpu.memory_space<vmem>>) offsets(%dma_start3A_116 : memref<128xi32, #tpu.memory_space<vmem>>) semaphore(%arg7 : memref<!tpu.dma_semaphore, #tpu.memory_space<semaphore_mem>>)
    %dma_start3A_120 = arith.constant 12 : i32
    %dma_start3A_121 = arith.constant 1536 : i32
    %dma_start3A_122 = arith.constant 0 : i32
    %dma_start3A_123 = tpu.memref_slice %arg6[%dma_start3A_121, %dma_start3A_122] : memref<2048x32xf32, #tpu.memory_space<vmem>> -> memref<128x32xf32, #tpu.memory_space<vmem>>
    %dma_start3A_124 = arith.constant 0 : i32
    %dma_start3A_125 = tpu.memref_slice %arg5[%dma_start3A_120, %dma_start3A_124] : memref<16x128xi32, #tpu.memory_space<vmem>> -> memref<1x128xi32, #tpu.memory_space<vmem>>
    %dma_start3A_126 = tpu.memref_squeeze %dma_start3A_125 : memref<1x128xi32, #tpu.memory_space<vmem>> -> memref<128xi32, #tpu.memory_space<vmem>>
    %dma_start3A_127 = arith.constant 0 : i32
    %dma_start3A_128 = arith.constant 0 : i32
    %dma_start3A_129 = tpu.memref_slice %arg2[%dma_start3A_127, %dma_start3A_128] : memref<8192x32xf32, #tpu.memory_space<hbm>> -> memref<8192x32xf32, #tpu.memory_space<hbm>>
    tpu.enqueue_indirect_dma source(%dma_start3A_129 : memref<8192x32xf32, #tpu.memory_space<hbm>>) target(%dma_start3A_123 : memref<128x32xf32, #tpu.memory_space<vmem>>) offsets(%dma_start3A_126 : memref<128xi32, #tpu.memory_space<vmem>>) semaphore(%arg7 : memref<!tpu.dma_semaphore, #tpu.memory_space<semaphore_mem>>)
    %dma_start3A_130 = arith.constant 13 : i32
    %dma_start3A_131 = arith.constant 1664 : i32
    %dma_start3A_132 = arith.constant 0 : i32
    %dma_start3A_133 = tpu.memref_slice %arg6[%dma_start3A_131, %dma_start3A_132] : memref<2048x32xf32, #tpu.memory_space<vmem>> -> memref<128x32xf32, #tpu.memory_space<vmem>>
    %dma_start3A_134 = arith.constant 0 : i32
    %dma_start3A_135 = tpu.memref_slice %arg5[%dma_start3A_130, %dma_start3A_134] : memref<16x128xi32, #tpu.memory_space<vmem>> -> memref<1x128xi32, #tpu.memory_space<vmem>>
    %dma_start3A_136 = tpu.memref_squeeze %dma_start3A_135 : memref<1x128xi32, #tpu.memory_space<vmem>> -> memref<128xi32, #tpu.memory_space<vmem>>
    %dma_start3A_137 = arith.constant 0 : i32
    %dma_start3A_138 = arith.constant 0 : i32
    %dma_start3A_139 = tpu.memref_slice %arg2[%dma_start3A_137, %dma_start3A_138] : memref<8192x32xf32, #tpu.memory_space<hbm>> -> memref<8192x32xf32, #tpu.memory_space<hbm>>
    tpu.enqueue_indirect_dma source(%dma_start3A_139 : memref<8192x32xf32, #tpu.memory_space<hbm>>) target(%dma_start3A_133 : memref<128x32xf32, #tpu.memory_space<vmem>>) offsets(%dma_start3A_136 : memref<128xi32, #tpu.memory_space<vmem>>) semaphore(%arg7 : memref<!tpu.dma_semaphore, #tpu.memory_space<semaphore_mem>>)
    %dma_start3A_140 = arith.constant 14 : i32
    %dma_start3A_141 = arith.constant 1792 : i32
    %dma_start3A_142 = arith.constant 0 : i32
    %dma_start3A_143 = tpu.memref_slice %arg6[%dma_start3A_141, %dma_start3A_142] : memref<2048x32xf32, #tpu.memory_space<vmem>> -> memref<128x32xf32, #tpu.memory_space<vmem>>
    %dma_start3A_144 = arith.constant 0 : i32
    %dma_start3A_145 = tpu.memref_slice %arg5[%dma_start3A_140, %dma_start3A_144] : memref<16x128xi32, #tpu.memory_space<vmem>> -> memref<1x128xi32, #tpu.memory_space<vmem>>
    %dma_start3A_146 = tpu.memref_squeeze %dma_start3A_145 : memref<1x128xi32, #tpu.memory_space<vmem>> -> memref<128xi32, #tpu.memory_space<vmem>>
    %dma_start3A_147 = arith.constant 0 : i32
    %dma_start3A_148 = arith.constant 0 : i32
    %dma_start3A_149 = tpu.memref_slice %arg2[%dma_start3A_147, %dma_start3A_148] : memref<8192x32xf32, #tpu.memory_space<hbm>> -> memref<8192x32xf32, #tpu.memory_space<hbm>>
    tpu.enqueue_indirect_dma source(%dma_start3A_149 : memref<8192x32xf32, #tpu.memory_space<hbm>>) target(%dma_start3A_143 : memref<128x32xf32, #tpu.memory_space<vmem>>) offsets(%dma_start3A_146 : memref<128xi32, #tpu.memory_space<vmem>>) semaphore(%arg7 : memref<!tpu.dma_semaphore, #tpu.memory_space<semaphore_mem>>)
    %dma_start3A_150 = arith.constant 15 : i32
    %dma_start3A_151 = arith.constant 1920 : i32
    %dma_start3A_152 = arith.constant 0 : i32
    %dma_start3A_153 = tpu.memref_slice %arg6[%dma_start3A_151, %dma_start3A_152] : memref<2048x32xf32, #tpu.memory_space<vmem>> -> memref<128x32xf32, #tpu.memory_space<vmem>>
    %dma_start3A_154 = arith.constant 0 : i32
    %dma_start3A_155 = tpu.memref_slice %arg5[%dma_start3A_150, %dma_start3A_154] : memref<16x128xi32, #tpu.memory_space<vmem>> -> memref<1x128xi32, #tpu.memory_space<vmem>>
    %dma_start3A_156 = tpu.memref_squeeze %dma_start3A_155 : memref<1x128xi32, #tpu.memory_space<vmem>> -> memref<128xi32, #tpu.memory_space<vmem>>
    %dma_start3A_157 = arith.constant 0 : i32
    %dma_start3A_158 = arith.constant 0 : i32
    %dma_start3A_159 = tpu.memref_slice %arg2[%dma_start3A_157, %dma_start3A_158] : memref<8192x32xf32, #tpu.memory_space<hbm>> -> memref<8192x32xf32, #tpu.memory_space<hbm>>
    tpu.enqueue_indirect_dma source(%dma_start3A_159 : memref<8192x32xf32, #tpu.memory_space<hbm>>) target(%dma_start3A_153 : memref<128x32xf32, #tpu.memory_space<vmem>>) offsets(%dma_start3A_156 : memref<128xi32, #tpu.memory_space<vmem>>) semaphore(%arg7 : memref<!tpu.dma_semaphore, #tpu.memory_space<semaphore_mem>>)
    %dma_wait3A = arith.constant 0 : i32
    %dma_wait3A_160 = arith.constant 0 : i32
    %dma_wait3A_161 = arith.constant 0 : i32
    %dma_wait3A_162 = tpu.memref_slice %arg6[%dma_wait3A_160, %dma_wait3A_161] : memref<2048x32xf32, #tpu.memory_space<vmem>> -> memref<128x32xf32, #tpu.memory_space<vmem>>
    %dma_wait3A_163 = arith.constant 0 : i32
    %dma_wait3A_164 = tpu.memref_slice %arg5[%dma_wait3A, %dma_wait3A_163] : memref<16x128xi32, #tpu.memory_space<vmem>> -> memref<1x128xi32, #tpu.memory_space<vmem>>
    %dma_wait3A_165 = tpu.memref_squeeze %dma_wait3A_164 : memref<1x128xi32, #tpu.memory_space<vmem>> -> memref<128xi32, #tpu.memory_space<vmem>>
    %dma_wait3A_166 = arith.constant 0 : i32
    %dma_wait3A_167 = arith.constant 0 : i32
    %dma_wait3A_168 = tpu.memref_slice %arg2[%dma_wait3A_166, %dma_wait3A_167] : memref<8192x32xf32, #tpu.memory_space<hbm>> -> memref<8192x32xf32, #tpu.memory_space<hbm>>
    tpu.wait_indirect_dma semaphore(%arg7 : memref<!tpu.dma_semaphore, #tpu.memory_space<semaphore_mem>>) src(%dma_wait3A_168 : memref<8192x32xf32, #tpu.memory_space<hbm>>) dst(%dma_wait3A_162 : memref<128x32xf32, #tpu.memory_space<vmem>>)
    %dma_wait3A_169 = arith.constant 1 : i32
    %dma_wait3A_170 = arith.constant 128 : i32
    %dma_wait3A_171 = arith.constant 0 : i32
    %dma_wait3A_172 = tpu.memref_slice %arg6[%dma_wait3A_170, %dma_wait3A_171] : memref<2048x32xf32, #tpu.memory_space<vmem>> -> memref<128x32xf32, #tpu.memory_space<vmem>>
    %dma_wait3A_173 = arith.constant 0 : i32
    %dma_wait3A_174 = tpu.memref_slice %arg5[%dma_wait3A_169, %dma_wait3A_173] : memref<16x128xi32, #tpu.memory_space<vmem>> -> memref<1x128xi32, #tpu.memory_space<vmem>>
    %dma_wait3A_175 = tpu.memref_squeeze %dma_wait3A_174 : memref<1x128xi32, #tpu.memory_space<vmem>> -> memref<128xi32, #tpu.memory_space<vmem>>
    %dma_wait3A_176 = arith.constant 0 : i32
    %dma_wait3A_177 = arith.constant 0 : i32
    %dma_wait3A_178 = tpu.memref_slice %arg2[%dma_wait3A_176, %dma_wait3A_177] : memref<8192x32xf32, #tpu.memory_space<hbm>> -> memref<8192x32xf32, #tpu.memory_space<hbm>>
    tpu.wait_indirect_dma semaphore(%arg7 : memref<!tpu.dma_semaphore, #tpu.memory_space<semaphore_mem>>) src(%dma_wait3A_178 : memref<8192x32xf32, #tpu.memory_space<hbm>>) dst(%dma_wait3A_172 : memref<128x32xf32, #tpu.memory_space<vmem>>)
    %dma_wait3A_179 = arith.constant 2 : i32
    %dma_wait3A_180 = arith.constant 256 : i32
    %dma_wait3A_181 = arith.constant 0 : i32
    %dma_wait3A_182 = tpu.memref_slice %arg6[%dma_wait3A_180, %dma_wait3A_181] : memref<2048x32xf32, #tpu.memory_space<vmem>> -> memref<128x32xf32, #tpu.memory_space<vmem>>
    %dma_wait3A_183 = arith.constant 0 : i32
    %dma_wait3A_184 = tpu.memref_slice %arg5[%dma_wait3A_179, %dma_wait3A_183] : memref<16x128xi32, #tpu.memory_space<vmem>> -> memref<1x128xi32, #tpu.memory_space<vmem>>
    %dma_wait3A_185 = tpu.memref_squeeze %dma_wait3A_184 : memref<1x128xi32, #tpu.memory_space<vmem>> -> memref<128xi32, #tpu.memory_space<vmem>>
    %dma_wait3A_186 = arith.constant 0 : i32
    %dma_wait3A_187 = arith.constant 0 : i32
    %dma_wait3A_188 = tpu.memref_slice %arg2[%dma_wait3A_186, %dma_wait3A_187] : memref<8192x32xf32, #tpu.memory_space<hbm>> -> memref<8192x32xf32, #tpu.memory_space<hbm>>
    tpu.wait_indirect_dma semaphore(%arg7 : memref<!tpu.dma_semaphore, #tpu.memory_space<semaphore_mem>>) src(%dma_wait3A_188 : memref<8192x32xf32, #tpu.memory_space<hbm>>) dst(%dma_wait3A_182 : memref<128x32xf32, #tpu.memory_space<vmem>>)
    %dma_wait3A_189 = arith.constant 3 : i32
    %dma_wait3A_190 = arith.constant 384 : i32
    %dma_wait3A_191 = arith.constant 0 : i32
    %dma_wait3A_192 = tpu.memref_slice %arg6[%dma_wait3A_190, %dma_wait3A_191] : memref<2048x32xf32, #tpu.memory_space<vmem>> -> memref<128x32xf32, #tpu.memory_space<vmem>>
    %dma_wait3A_193 = arith.constant 0 : i32
    %dma_wait3A_194 = tpu.memref_slice %arg5[%dma_wait3A_189, %dma_wait3A_193] : memref<16x128xi32, #tpu.memory_space<vmem>> -> memref<1x128xi32, #tpu.memory_space<vmem>>
    %dma_wait3A_195 = tpu.memref_squeeze %dma_wait3A_194 : memref<1x128xi32, #tpu.memory_space<vmem>> -> memref<128xi32, #tpu.memory_space<vmem>>
    %dma_wait3A_196 = arith.constant 0 : i32
    %dma_wait3A_197 = arith.constant 0 : i32
    %dma_wait3A_198 = tpu.memref_slice %arg2[%dma_wait3A_196, %dma_wait3A_197] : memref<8192x32xf32, #tpu.memory_space<hbm>> -> memref<8192x32xf32, #tpu.memory_space<hbm>>
    tpu.wait_indirect_dma semaphore(%arg7 : memref<!tpu.dma_semaphore, #tpu.memory_space<semaphore_mem>>) src(%dma_wait3A_198 : memref<8192x32xf32, #tpu.memory_space<hbm>>) dst(%dma_wait3A_192 : memref<128x32xf32, #tpu.memory_space<vmem>>)
    %dma_wait3A_199 = arith.constant 4 : i32
    %dma_wait3A_200 = arith.constant 512 : i32
    %dma_wait3A_201 = arith.constant 0 : i32
    %dma_wait3A_202 = tpu.memref_slice %arg6[%dma_wait3A_200, %dma_wait3A_201] : memref<2048x32xf32, #tpu.memory_space<vmem>> -> memref<128x32xf32, #tpu.memory_space<vmem>>
    %dma_wait3A_203 = arith.constant 0 : i32
    %dma_wait3A_204 = tpu.memref_slice %arg5[%dma_wait3A_199, %dma_wait3A_203] : memref<16x128xi32, #tpu.memory_space<vmem>> -> memref<1x128xi32, #tpu.memory_space<vmem>>
    %dma_wait3A_205 = tpu.memref_squeeze %dma_wait3A_204 : memref<1x128xi32, #tpu.memory_space<vmem>> -> memref<128xi32, #tpu.memory_space<vmem>>
    %dma_wait3A_206 = arith.constant 0 : i32
    %dma_wait3A_207 = arith.constant 0 : i32
    %dma_wait3A_208 = tpu.memref_slice %arg2[%dma_wait3A_206, %dma_wait3A_207] : memref<8192x32xf32, #tpu.memory_space<hbm>> -> memref<8192x32xf32, #tpu.memory_space<hbm>>
    tpu.wait_indirect_dma semaphore(%arg7 : memref<!tpu.dma_semaphore, #tpu.memory_space<semaphore_mem>>) src(%dma_wait3A_208 : memref<8192x32xf32, #tpu.memory_space<hbm>>) dst(%dma_wait3A_202 : memref<128x32xf32, #tpu.memory_space<vmem>>)
    %dma_wait3A_209 = arith.constant 5 : i32
    %dma_wait3A_210 = arith.constant 640 : i32
    %dma_wait3A_211 = arith.constant 0 : i32
    %dma_wait3A_212 = tpu.memref_slice %arg6[%dma_wait3A_210, %dma_wait3A_211] : memref<2048x32xf32, #tpu.memory_space<vmem>> -> memref<128x32xf32, #tpu.memory_space<vmem>>
    %dma_wait3A_213 = arith.constant 0 : i32
    %dma_wait3A_214 = tpu.memref_slice %arg5[%dma_wait3A_209, %dma_wait3A_213] : memref<16x128xi32, #tpu.memory_space<vmem>> -> memref<1x128xi32, #tpu.memory_space<vmem>>
    %dma_wait3A_215 = tpu.memref_squeeze %dma_wait3A_214 : memref<1x128xi32, #tpu.memory_space<vmem>> -> memref<128xi32, #tpu.memory_space<vmem>>
    %dma_wait3A_216 = arith.constant 0 : i32
    %dma_wait3A_217 = arith.constant 0 : i32
    %dma_wait3A_218 = tpu.memref_slice %arg2[%dma_wait3A_216, %dma_wait3A_217] : memref<8192x32xf32, #tpu.memory_space<hbm>> -> memref<8192x32xf32, #tpu.memory_space<hbm>>
    tpu.wait_indirect_dma semaphore(%arg7 : memref<!tpu.dma_semaphore, #tpu.memory_space<semaphore_mem>>) src(%dma_wait3A_218 : memref<8192x32xf32, #tpu.memory_space<hbm>>) dst(%dma_wait3A_212 : memref<128x32xf32, #tpu.memory_space<vmem>>)
    %dma_wait3A_219 = arith.constant 6 : i32
    %dma_wait3A_220 = arith.constant 768 : i32
    %dma_wait3A_221 = arith.constant 0 : i32
    %dma_wait3A_222 = tpu.memref_slice %arg6[%dma_wait3A_220, %dma_wait3A_221] : memref<2048x32xf32, #tpu.memory_space<vmem>> -> memref<128x32xf32, #tpu.memory_space<vmem>>
    %dma_wait3A_223 = arith.constant 0 : i32
    %dma_wait3A_224 = tpu.memref_slice %arg5[%dma_wait3A_219, %dma_wait3A_223] : memref<16x128xi32, #tpu.memory_space<vmem>> -> memref<1x128xi32, #tpu.memory_space<vmem>>
    %dma_wait3A_225 = tpu.memref_squeeze %dma_wait3A_224 : memref<1x128xi32, #tpu.memory_space<vmem>> -> memref<128xi32, #tpu.memory_space<vmem>>
    %dma_wait3A_226 = arith.constant 0 : i32
    %dma_wait3A_227 = arith.constant 0 : i32
    %dma_wait3A_228 = tpu.memref_slice %arg2[%dma_wait3A_226, %dma_wait3A_227] : memref<8192x32xf32, #tpu.memory_space<hbm>> -> memref<8192x32xf32, #tpu.memory_space<hbm>>
    tpu.wait_indirect_dma semaphore(%arg7 : memref<!tpu.dma_semaphore, #tpu.memory_space<semaphore_mem>>) src(%dma_wait3A_228 : memref<8192x32xf32, #tpu.memory_space<hbm>>) dst(%dma_wait3A_222 : memref<128x32xf32, #tpu.memory_space<vmem>>)
    %dma_wait3A_229 = arith.constant 7 : i32
    %dma_wait3A_230 = arith.constant 896 : i32
    %dma_wait3A_231 = arith.constant 0 : i32
    %dma_wait3A_232 = tpu.memref_slice %arg6[%dma_wait3A_230, %dma_wait3A_231] : memref<2048x32xf32, #tpu.memory_space<vmem>> -> memref<128x32xf32, #tpu.memory_space<vmem>>
    %dma_wait3A_233 = arith.constant 0 : i32
    %dma_wait3A_234 = tpu.memref_slice %arg5[%dma_wait3A_229, %dma_wait3A_233] : memref<16x128xi32, #tpu.memory_space<vmem>> -> memref<1x128xi32, #tpu.memory_space<vmem>>
    %dma_wait3A_235 = tpu.memref_squeeze %dma_wait3A_234 : memref<1x128xi32, #tpu.memory_space<vmem>> -> memref<128xi32, #tpu.memory_space<vmem>>
    %dma_wait3A_236 = arith.constant 0 : i32
    %dma_wait3A_237 = arith.constant 0 : i32
    %dma_wait3A_238 = tpu.memref_slice %arg2[%dma_wait3A_236, %dma_wait3A_237] : memref<8192x32xf32, #tpu.memory_space<hbm>> -> memref<8192x32xf32, #tpu.memory_space<hbm>>
    tpu.wait_indirect_dma semaphore(%arg7 : memref<!tpu.dma_semaphore, #tpu.memory_space<semaphore_mem>>) src(%dma_wait3A_238 : memref<8192x32xf32, #tpu.memory_space<hbm>>) dst(%dma_wait3A_232 : memref<128x32xf32, #tpu.memory_space<vmem>>)
    %dma_wait3A_239 = arith.constant 8 : i32
    %dma_wait3A_240 = arith.constant 1024 : i32
    %dma_wait3A_241 = arith.constant 0 : i32
    %dma_wait3A_242 = tpu.memref_slice %arg6[%dma_wait3A_240, %dma_wait3A_241] : memref<2048x32xf32, #tpu.memory_space<vmem>> -> memref<128x32xf32, #tpu.memory_space<vmem>>
    %dma_wait3A_243 = arith.constant 0 : i32
    %dma_wait3A_244 = tpu.memref_slice %arg5[%dma_wait3A_239, %dma_wait3A_243] : memref<16x128xi32, #tpu.memory_space<vmem>> -> memref<1x128xi32, #tpu.memory_space<vmem>>
    %dma_wait3A_245 = tpu.memref_squeeze %dma_wait3A_244 : memref<1x128xi32, #tpu.memory_space<vmem>> -> memref<128xi32, #tpu.memory_space<vmem>>
    %dma_wait3A_246 = arith.constant 0 : i32
    %dma_wait3A_247 = arith.constant 0 : i32
    %dma_wait3A_248 = tpu.memref_slice %arg2[%dma_wait3A_246, %dma_wait3A_247] : memref<8192x32xf32, #tpu.memory_space<hbm>> -> memref<8192x32xf32, #tpu.memory_space<hbm>>
    tpu.wait_indirect_dma semaphore(%arg7 : memref<!tpu.dma_semaphore, #tpu.memory_space<semaphore_mem>>) src(%dma_wait3A_248 : memref<8192x32xf32, #tpu.memory_space<hbm>>) dst(%dma_wait3A_242 : memref<128x32xf32, #tpu.memory_space<vmem>>)
    %dma_wait3A_249 = arith.constant 9 : i32
    %dma_wait3A_250 = arith.constant 1152 : i32
    %dma_wait3A_251 = arith.constant 0 : i32
    %dma_wait3A_252 = tpu.memref_slice %arg6[%dma_wait3A_250, %dma_wait3A_251] : memref<2048x32xf32, #tpu.memory_space<vmem>> -> memref<128x32xf32, #tpu.memory_space<vmem>>
    %dma_wait3A_253 = arith.constant 0 : i32
    %dma_wait3A_254 = tpu.memref_slice %arg5[%dma_wait3A_249, %dma_wait3A_253] : memref<16x128xi32, #tpu.memory_space<vmem>> -> memref<1x128xi32, #tpu.memory_space<vmem>>
    %dma_wait3A_255 = tpu.memref_squeeze %dma_wait3A_254 : memref<1x128xi32, #tpu.memory_space<vmem>> -> memref<128xi32, #tpu.memory_space<vmem>>
    %dma_wait3A_256 = arith.constant 0 : i32
    %dma_wait3A_257 = arith.constant 0 : i32
    %dma_wait3A_258 = tpu.memref_slice %arg2[%dma_wait3A_256, %dma_wait3A_257] : memref<8192x32xf32, #tpu.memory_space<hbm>> -> memref<8192x32xf32, #tpu.memory_space<hbm>>
    tpu.wait_indirect_dma semaphore(%arg7 : memref<!tpu.dma_semaphore, #tpu.memory_space<semaphore_mem>>) src(%dma_wait3A_258 : memref<8192x32xf32, #tpu.memory_space<hbm>>) dst(%dma_wait3A_252 : memref<128x32xf32, #tpu.memory_space<vmem>>)
    %dma_wait3A_259 = arith.constant 10 : i32
    %dma_wait3A_260 = arith.constant 1280 : i32
    %dma_wait3A_261 = arith.constant 0 : i32
    %dma_wait3A_262 = tpu.memref_slice %arg6[%dma_wait3A_260, %dma_wait3A_261] : memref<2048x32xf32, #tpu.memory_space<vmem>> -> memref<128x32xf32, #tpu.memory_space<vmem>>
    %dma_wait3A_263 = arith.constant 0 : i32
    %dma_wait3A_264 = tpu.memref_slice %arg5[%dma_wait3A_259, %dma_wait3A_263] : memref<16x128xi32, #tpu.memory_space<vmem>> -> memref<1x128xi32, #tpu.memory_space<vmem>>
    %dma_wait3A_265 = tpu.memref_squeeze %dma_wait3A_264 : memref<1x128xi32, #tpu.memory_space<vmem>> -> memref<128xi32, #tpu.memory_space<vmem>>
    %dma_wait3A_266 = arith.constant 0 : i32
    %dma_wait3A_267 = arith.constant 0 : i32
    %dma_wait3A_268 = tpu.memref_slice %arg2[%dma_wait3A_266, %dma_wait3A_267] : memref<8192x32xf32, #tpu.memory_space<hbm>> -> memref<8192x32xf32, #tpu.memory_space<hbm>>
    tpu.wait_indirect_dma semaphore(%arg7 : memref<!tpu.dma_semaphore, #tpu.memory_space<semaphore_mem>>) src(%dma_wait3A_268 : memref<8192x32xf32, #tpu.memory_space<hbm>>) dst(%dma_wait3A_262 : memref<128x32xf32, #tpu.memory_space<vmem>>)
    %dma_wait3A_269 = arith.constant 11 : i32
    %dma_wait3A_270 = arith.constant 1408 : i32
    %dma_wait3A_271 = arith.constant 0 : i32
    %dma_wait3A_272 = tpu.memref_slice %arg6[%dma_wait3A_270, %dma_wait3A_271] : memref<2048x32xf32, #tpu.memory_space<vmem>> -> memref<128x32xf32, #tpu.memory_space<vmem>>
    %dma_wait3A_273 = arith.constant 0 : i32
    %dma_wait3A_274 = tpu.memref_slice %arg5[%dma_wait3A_269, %dma_wait3A_273] : memref<16x128xi32, #tpu.memory_space<vmem>> -> memref<1x128xi32, #tpu.memory_space<vmem>>
    %dma_wait3A_275 = tpu.memref_squeeze %dma_wait3A_274 : memref<1x128xi32, #tpu.memory_space<vmem>> -> memref<128xi32, #tpu.memory_space<vmem>>
    %dma_wait3A_276 = arith.constant 0 : i32
    %dma_wait3A_277 = arith.constant 0 : i32
    %dma_wait3A_278 = tpu.memref_slice %arg2[%dma_wait3A_276, %dma_wait3A_277] : memref<8192x32xf32, #tpu.memory_space<hbm>> -> memref<8192x32xf32, #tpu.memory_space<hbm>>
    tpu.wait_indirect_dma semaphore(%arg7 : memref<!tpu.dma_semaphore, #tpu.memory_space<semaphore_mem>>) src(%dma_wait3A_278 : memref<8192x32xf32, #tpu.memory_space<hbm>>) dst(%dma_wait3A_272 : memref<128x32xf32, #tpu.memory_space<vmem>>)
    %dma_wait3A_279 = arith.constant 12 : i32
    %dma_wait3A_280 = arith.constant 1536 : i32
    %dma_wait3A_281 = arith.constant 0 : i32
    %dma_wait3A_282 = tpu.memref_slice %arg6[%dma_wait3A_280, %dma_wait3A_281] : memref<2048x32xf32, #tpu.memory_space<vmem>> -> memref<128x32xf32, #tpu.memory_space<vmem>>
    %dma_wait3A_283 = arith.constant 0 : i32
    %dma_wait3A_284 = tpu.memref_slice %arg5[%dma_wait3A_279, %dma_wait3A_283] : memref<16x128xi32, #tpu.memory_space<vmem>> -> memref<1x128xi32, #tpu.memory_space<vmem>>
    %dma_wait3A_285 = tpu.memref_squeeze %dma_wait3A_284 : memref<1x128xi32, #tpu.memory_space<vmem>> -> memref<128xi32, #tpu.memory_space<vmem>>
    %dma_wait3A_286 = arith.constant 0 : i32
    %dma_wait3A_287 = arith.constant 0 : i32
    %dma_wait3A_288 = tpu.memref_slice %arg2[%dma_wait3A_286, %dma_wait3A_287] : memref<8192x32xf32, #tpu.memory_space<hbm>> -> memref<8192x32xf32, #tpu.memory_space<hbm>>
    tpu.wait_indirect_dma semaphore(%arg7 : memref<!tpu.dma_semaphore, #tpu.memory_space<semaphore_mem>>) src(%dma_wait3A_288 : memref<8192x32xf32, #tpu.memory_space<hbm>>) dst(%dma_wait3A_282 : memref<128x32xf32, #tpu.memory_space<vmem>>)
    %dma_wait3A_289 = arith.constant 13 : i32
    %dma_wait3A_290 = arith.constant 1664 : i32
    %dma_wait3A_291 = arith.constant 0 : i32
    %dma_wait3A_292 = tpu.memref_slice %arg6[%dma_wait3A_290, %dma_wait3A_291] : memref<2048x32xf32, #tpu.memory_space<vmem>> -> memref<128x32xf32, #tpu.memory_space<vmem>>
    %dma_wait3A_293 = arith.constant 0 : i32
    %dma_wait3A_294 = tpu.memref_slice %arg5[%dma_wait3A_289, %dma_wait3A_293] : memref<16x128xi32, #tpu.memory_space<vmem>> -> memref<1x128xi32, #tpu.memory_space<vmem>>
    %dma_wait3A_295 = tpu.memref_squeeze %dma_wait3A_294 : memref<1x128xi32, #tpu.memory_space<vmem>> -> memref<128xi32, #tpu.memory_space<vmem>>
    %dma_wait3A_296 = arith.constant 0 : i32
    %dma_wait3A_297 = arith.constant 0 : i32
    %dma_wait3A_298 = tpu.memref_slice %arg2[%dma_wait3A_296, %dma_wait3A_297] : memref<8192x32xf32, #tpu.memory_space<hbm>> -> memref<8192x32xf32, #tpu.memory_space<hbm>>
    tpu.wait_indirect_dma semaphore(%arg7 : memref<!tpu.dma_semaphore, #tpu.memory_space<semaphore_mem>>) src(%dma_wait3A_298 : memref<8192x32xf32, #tpu.memory_space<hbm>>) dst(%dma_wait3A_292 : memref<128x32xf32, #tpu.memory_space<vmem>>)
    %dma_wait3A_299 = arith.constant 14 : i32
    %dma_wait3A_300 = arith.constant 1792 : i32
    %dma_wait3A_301 = arith.constant 0 : i32
    %dma_wait3A_302 = tpu.memref_slice %arg6[%dma_wait3A_300, %dma_wait3A_301] : memref<2048x32xf32, #tpu.memory_space<vmem>> -> memref<128x32xf32, #tpu.memory_space<vmem>>
    %dma_wait3A_303 = arith.constant 0 : i32
    %dma_wait3A_304 = tpu.memref_slice %arg5[%dma_wait3A_299, %dma_wait3A_303] : memref<16x128xi32, #tpu.memory_space<vmem>> -> memref<1x128xi32, #tpu.memory_space<vmem>>
    %dma_wait3A_305 = tpu.memref_squeeze %dma_wait3A_304 : memref<1x128xi32, #tpu.memory_space<vmem>> -> memref<128xi32, #tpu.memory_space<vmem>>
    %dma_wait3A_306 = arith.constant 0 : i32
    %dma_wait3A_307 = arith.constant 0 : i32
    %dma_wait3A_308 = tpu.memref_slice %arg2[%dma_wait3A_306, %dma_wait3A_307] : memref<8192x32xf32, #tpu.memory_space<hbm>> -> memref<8192x32xf32, #tpu.memory_space<hbm>>
    tpu.wait_indirect_dma semaphore(%arg7 : memref<!tpu.dma_semaphore, #tpu.memory_space<semaphore_mem>>) src(%dma_wait3A_308 : memref<8192x32xf32, #tpu.memory_space<hbm>>) dst(%dma_wait3A_302 : memref<128x32xf32, #tpu.memory_space<vmem>>)
    %dma_wait3A_309 = arith.constant 15 : i32
    %dma_wait3A_310 = arith.constant 1920 : i32
    %dma_wait3A_311 = arith.constant 0 : i32
    %dma_wait3A_312 = tpu.memref_slice %arg6[%dma_wait3A_310, %dma_wait3A_311] : memref<2048x32xf32, #tpu.memory_space<vmem>> -> memref<128x32xf32, #tpu.memory_space<vmem>>
    %dma_wait3A_313 = arith.constant 0 : i32
    %dma_wait3A_314 = tpu.memref_slice %arg5[%dma_wait3A_309, %dma_wait3A_313] : memref<16x128xi32, #tpu.memory_space<vmem>> -> memref<1x128xi32, #tpu.memory_space<vmem>>
    %dma_wait3A_315 = tpu.memref_squeeze %dma_wait3A_314 : memref<1x128xi32, #tpu.memory_space<vmem>> -> memref<128xi32, #tpu.memory_space<vmem>>
    %dma_wait3A_316 = arith.constant 0 : i32
    %dma_wait3A_317 = arith.constant 0 : i32
    %dma_wait3A_318 = tpu.memref_slice %arg2[%dma_wait3A_316, %dma_wait3A_317] : memref<8192x32xf32, #tpu.memory_space<hbm>> -> memref<8192x32xf32, #tpu.memory_space<hbm>>
    tpu.wait_indirect_dma semaphore(%arg7 : memref<!tpu.dma_semaphore, #tpu.memory_space<semaphore_mem>>) src(%dma_wait3A_318 : memref<8192x32xf32, #tpu.memory_space<hbm>>) dst(%dma_wait3A_312 : memref<128x32xf32, #tpu.memory_space<vmem>>)
    %mul3A_319 = arith.constant 2048 : i32
    %mul3A_320 = arith.muli %add3A, %mul3A_319 : i32
    "tpu.region"() ({
      %run_scoped3A = tpu.sem_alloc : memref<!tpu.dma_semaphore, #tpu.memory_space<semaphore_mem>>
      %dma_start3A_321 = arith.constant 0 : i32
      %dma_start3A_322 = tpu.memref_slice %arg4[%mul3A_320, %dma_start3A_321] : memref<65536x32xf32, #tpu.memory_space<hbm>> -> memref<2048x32xf32, #tpu.memory_space<hbm>>
      %dma_start3A_323 = arith.constant 0 : i32
      %dma_start3A_324 = tpu.memref_slice %arg4[%mul3A_320, %dma_start3A_323] : memref<65536x32xf32, #tpu.memory_space<hbm>> -> memref<2048x32xf32, #tpu.memory_space<hbm>>
      tpu.enqueue_dma source(%arg6 : memref<2048x32xf32, #tpu.memory_space<vmem>>) target(%dma_start3A_324 : memref<2048x32xf32, #tpu.memory_space<hbm>>) target_semaphore(%run_scoped3A : memref<!tpu.dma_semaphore, #tpu.memory_space<semaphore_mem>>)
      %dma_wait3A_325 = arith.constant 0 : i32
      %dma_wait3A_326 = tpu.memref_slice %arg4[%mul3A_320, %dma_wait3A_325] : memref<65536x32xf32, #tpu.memory_space<hbm>> -> memref<2048x32xf32, #tpu.memory_space<hbm>>
      %dma_wait3A_327 = arith.constant 0 : i32
      %dma_wait3A_328 = tpu.memref_slice %arg4[%mul3A_320, %dma_wait3A_327] : memref<65536x32xf32, #tpu.memory_space<hbm>> -> memref<2048x32xf32, #tpu.memory_space<hbm>>
      tpu.wait_dma2 semaphore(%run_scoped3A : memref<!tpu.dma_semaphore, #tpu.memory_space<semaphore_mem>>) src(%arg6 : memref<2048x32xf32, #tpu.memory_space<vmem>>) dst(%dma_wait3A_328 : memref<2048x32xf32, #tpu.memory_space<hbm>>)
      tpu.yield
    }) : () -> ()
    return
  }
}

module attributes {stable_mosaic.version = 14 : i64} {
  func.func @_encode_body(%arg0: i32, %arg1: memref<1024x64x128xf32, #tpu.memory_space<any>>, %arg2: memref<1x128x256xf32, #tpu.memory_space<vmem>>, %arg3: memref<1x1x256xf32, #tpu.memory_space<vmem>>, %arg4: memref<1x256x128xf32, #tpu.memory_space<vmem>>, %arg5: memref<1x1x128xf32, #tpu.memory_space<vmem>>, %arg6: memref<1x128x32xf32, #tpu.memory_space<vmem>>, %arg7: memref<1x1x32xf32, #tpu.memory_space<vmem>>, %arg8: memref<32x8192xf32, #tpu.memory_space<vmem>>, %arg9: memref<1024xi32, #tpu.memory_space<vmem>>, %arg10: memref<2x1024x128xf32, #tpu.memory_space<vmem>>, %arg11: memref<2x!tpu.dma_semaphore, #tpu.memory_space<semaphore_mem>>) attributes {dimension_semantics = [#tpu.dimension_semantics<arbitrary>], iteration_bounds = array<i64: 64>, scalar_prefetch = 0 : i64, scratch_operands = 2 : i64, tpu.core_type = #tpu.core_type<tc>, window_params = [{}, {transform_indices = @transform_1, window_bounds = array<i64: 1, 128, 256>}, {transform_indices = @transform_2, window_bounds = array<i64: 1, 1, 256>}, {transform_indices = @transform_3, window_bounds = array<i64: 1, 256, 128>}, {transform_indices = @transform_4, window_bounds = array<i64: 1, 1, 128>}, {transform_indices = @transform_5, window_bounds = array<i64: 1, 128, 32>}, {transform_indices = @transform_6, window_bounds = array<i64: 1, 1, 32>}, {pipeline_mode = #tpu.pipeline_mode<synchronous>, transform_indices = @transform_7, window_bounds = array<i64: 32, 8192>}, {transform_indices = @transform_8, window_bounds = array<i64: 1024>}]} {
    %jit3A = arith.constant 2 : i32
    %eq3A = arith.constant 0 : i32
    %eq3A_0 = arith.cmpi eq, %jit3A, %eq3A : i32
    %jit3A_1 = arith.constant 1 : i32
    %select_n3A = arith.select %eq3A_0, %jit3A_1, %jit3A : i32
    %rem3A = arith.remsi %arg0, %select_n3A : i32
    %ne3A = arith.constant 0 : i32
    %ne3A_2 = arith.cmpi ne, %rem3A, %ne3A : i32
    %lt3A = arith.constant 0 : i32
    %lt3A_3 = arith.cmpi slt, %rem3A, %lt3A : i32
    %lt3A_4 = arith.constant 0 : i32
    %lt3A_5 = arith.cmpi slt, %select_n3A, %lt3A_4 : i32
    %ne3A_6 = arith.xori %lt3A_3, %lt3A_5 : i1
    %and3A = arith.andi %ne3A_6, %ne3A_2 : i1
    %add3A = arith.addi %rem3A, %select_n3A : i32
    %select_n3A_7 = arith.select %and3A, %add3A, %rem3A : i32
    %eq3A_8 = arith.constant 0 : i32
    %eq3A_9 = arith.cmpi eq, %arg0, %eq3A_8 : i32
    %convert_element_type3A = arith.extui %eq3A_9 : i1 to i32
    %cond3A = arith.constant 0 : i32
    %cond3A_10 = arith.cmpi ne, %convert_element_type3A, %cond3A : i32
    scf.if %cond3A_10 {
      %dma_start3A = arith.constant 0 : i32
      %dma_start3A_602 = arith.constant 0 : i32
      %dma_start3A_603 = arith.constant 0 : i32
      %dma_start3A_604 = tpu.memref_slice %arg11[%dma_start3A_603] : memref<2x!tpu.dma_semaphore, #tpu.memory_space<semaphore_mem>> -> memref<1x!tpu.dma_semaphore, #tpu.memory_space<semaphore_mem>>
      %dma_start3A_605 = tpu.memref_squeeze %dma_start3A_604 : memref<1x!tpu.dma_semaphore, #tpu.memory_space<semaphore_mem>> -> memref<!tpu.dma_semaphore, #tpu.memory_space<semaphore_mem>>
      %dma_start3A_606 = arith.constant 0 : i32
      %dma_start3A_607 = arith.constant 0 : i32
      %dma_start3A_608 = tpu.memref_slice %arg10[%dma_start3A_602, %dma_start3A_606, %dma_start3A_607] : memref<2x1024x128xf32, #tpu.memory_space<vmem>> -> memref<1x1024x128xf32, #tpu.memory_space<vmem>>
      %dma_start3A_609 = tpu.memref_squeeze %dma_start3A_608 : memref<1x1024x128xf32, #tpu.memory_space<vmem>> -> memref<1024x128xf32, #tpu.memory_space<vmem>>
      %dma_start3A_610 = arith.constant 0 : i32
      %dma_start3A_611 = arith.constant 0 : i32
      %dma_start3A_612 = tpu.memref_slice %arg1[%dma_start3A_610, %dma_start3A, %dma_start3A_611] : memref<1024x64x128xf32, #tpu.memory_space<any>> -> memref<1024x1x128xf32, #tpu.memory_space<any>>
      %dma_start3A_613 = tpu.memref_squeeze %dma_start3A_612 : memref<1024x1x128xf32, #tpu.memory_space<any>> -> memref<1024x128xf32, #tpu.memory_space<any>>
      tpu.enqueue_dma source(%dma_start3A_613 : memref<1024x128xf32, #tpu.memory_space<any>>) target(%dma_start3A_609 : memref<1024x128xf32, #tpu.memory_space<vmem>>) target_semaphore(%dma_start3A_605 : memref<!tpu.dma_semaphore, #tpu.memory_space<semaphore_mem>>)
    } else {
    }
    %add3A_11 = arith.constant 1 : i32
    %add3A_12 = arith.addi %arg0, %add3A_11 : i32
    %lt3A_13 = arith.constant 64 : i32
    %lt3A_14 = arith.cmpi slt, %add3A_12, %lt3A_13 : i32
    %convert_element_type3A_15 = arith.extui %lt3A_14 : i1 to i32
    %cond3A_16 = arith.constant 0 : i32
    %cond3A_17 = arith.cmpi ne, %convert_element_type3A_15, %cond3A_16 : i32
    scf.if %cond3A_17 {
      %add3A_602 = arith.constant 1 : i32
      %add3A_603 = arith.addi %arg0, %add3A_602 : i32
      %sub3A = arith.constant 1 : i32
      %sub3A_604 = arith.subi %sub3A, %select_n3A_7 : i32
      %sub3A_605 = arith.constant 1 : i32
      %sub3A_606 = arith.subi %sub3A_605, %select_n3A_7 : i32
      %dma_start3A = tpu.memref_slice %arg11[%sub3A_606] : memref<2x!tpu.dma_semaphore, #tpu.memory_space<semaphore_mem>> -> memref<1x!tpu.dma_semaphore, #tpu.memory_space<semaphore_mem>>
      %dma_start3A_607 = tpu.memref_squeeze %dma_start3A : memref<1x!tpu.dma_semaphore, #tpu.memory_space<semaphore_mem>> -> memref<!tpu.dma_semaphore, #tpu.memory_space<semaphore_mem>>
      %dma_start3A_608 = arith.constant 0 : i32
      %dma_start3A_609 = arith.constant 0 : i32
      %dma_start3A_610 = tpu.memref_slice %arg10[%sub3A_604, %dma_start3A_608, %dma_start3A_609] : memref<2x1024x128xf32, #tpu.memory_space<vmem>> -> memref<1x1024x128xf32, #tpu.memory_space<vmem>>
      %dma_start3A_611 = tpu.memref_squeeze %dma_start3A_610 : memref<1x1024x128xf32, #tpu.memory_space<vmem>> -> memref<1024x128xf32, #tpu.memory_space<vmem>>
      %dma_start3A_612 = arith.constant 0 : i32
      %dma_start3A_613 = arith.constant 0 : i32
      %dma_start3A_614 = tpu.memref_slice %arg1[%dma_start3A_612, %add3A_603, %dma_start3A_613] : memref<1024x64x128xf32, #tpu.memory_space<any>> -> memref<1024x1x128xf32, #tpu.memory_space<any>>
      %dma_start3A_615 = tpu.memref_squeeze %dma_start3A_614 : memref<1024x1x128xf32, #tpu.memory_space<any>> -> memref<1024x128xf32, #tpu.memory_space<any>>
      tpu.enqueue_dma source(%dma_start3A_615 : memref<1024x128xf32, #tpu.memory_space<any>>) target(%dma_start3A_611 : memref<1024x128xf32, #tpu.memory_space<vmem>>) target_semaphore(%dma_start3A_607 : memref<!tpu.dma_semaphore, #tpu.memory_space<semaphore_mem>>)
    } else {
    }
    %dma_wait3A = tpu.memref_slice %arg11[%select_n3A_7] : memref<2x!tpu.dma_semaphore, #tpu.memory_space<semaphore_mem>> -> memref<1x!tpu.dma_semaphore, #tpu.memory_space<semaphore_mem>>
    %dma_wait3A_18 = tpu.memref_squeeze %dma_wait3A : memref<1x!tpu.dma_semaphore, #tpu.memory_space<semaphore_mem>> -> memref<!tpu.dma_semaphore, #tpu.memory_space<semaphore_mem>>
    %dma_wait3A_19 = arith.constant 0 : i32
    %dma_wait3A_20 = arith.constant 0 : i32
    %dma_wait3A_21 = tpu.memref_slice %arg10[%select_n3A_7, %dma_wait3A_19, %dma_wait3A_20] : memref<2x1024x128xf32, #tpu.memory_space<vmem>> -> memref<1x1024x128xf32, #tpu.memory_space<vmem>>
    %dma_wait3A_22 = tpu.memref_squeeze %dma_wait3A_21 : memref<1x1024x128xf32, #tpu.memory_space<vmem>> -> memref<1024x128xf32, #tpu.memory_space<vmem>>
    %dma_wait3A_23 = arith.constant 0 : i32
    %dma_wait3A_24 = arith.constant 0 : i32
    %dma_wait3A_25 = tpu.memref_slice %arg1[%dma_wait3A_23, %arg0, %dma_wait3A_24] : memref<1024x64x128xf32, #tpu.memory_space<any>> -> memref<1024x1x128xf32, #tpu.memory_space<any>>
    %dma_wait3A_26 = tpu.memref_squeeze %dma_wait3A_25 : memref<1024x1x128xf32, #tpu.memory_space<any>> -> memref<1024x128xf32, #tpu.memory_space<any>>
    tpu.wait_dma2 semaphore(%dma_wait3A_18 : memref<!tpu.dma_semaphore, #tpu.memory_space<semaphore_mem>>) src(%dma_wait3A_26 : memref<1024x128xf32, #tpu.memory_space<any>>) dst(%dma_wait3A_22 : memref<1024x128xf32, #tpu.memory_space<vmem>>)
    %get3A = arith.index_cast %select_n3A_7 : i32 to index
    %get3A_27 = arith.constant 0 : index
    %get3A_28 = arith.constant 0 : index
    %get3A_29 = vector.load %arg10[%get3A, %get3A_27, %get3A_28] : memref<2x1024x128xf32, #tpu.memory_space<vmem>>, vector<1x1024x128xf32>
    %get3A_30 = vector.shape_cast %get3A_29 : vector<1x1024x128xf32> to vector<1024x128xf32>
    %get3A_31 = arith.constant 0 : index
    %get3A_32 = arith.constant 0 : index
    %get3A_33 = arith.constant 0 : index
    %get3A_34 = vector.load %arg2[%get3A_31, %get3A_32, %get3A_33] : memref<1x128x256xf32, #tpu.memory_space<vmem>>, vector<1x128x256xf32>
    %get3A_35 = vector.shape_cast %get3A_34 : vector<1x128x256xf32> to vector<128x256xf32>
    %dot_general3A = arith.constant dense<0.000000e+00> : vector<1024x256xf32>
    %dot_general3A_36 = tpu.matmul %get3A_30, %get3A_35, %dot_general3A {dimension_numbers = #tpu.dot_dimension_numbers<[1], [0], [0], [1], [0, 0, 1, 1], [], []>, transpose_lhs_hint = false} : vector<1024x128xf32>, vector<128x256xf32>, vector<1024x256xf32> -> vector<1024x256xf32>
    %get3A_37 = arith.constant 0 : index
    %get3A_38 = arith.constant 0 : index
    %get3A_39 = arith.constant 0 : index
    %get3A_40 = vector.load %arg3[%get3A_37, %get3A_38, %get3A_39] : memref<1x1x256xf32, #tpu.memory_space<vmem>>, vector<1x1x256xf32>
    %get3A_41 = vector.shape_cast %get3A_40 : vector<1x1x256xf32> to vector<1x256xf32>
    %add3A_42 = vector.broadcast %get3A_41 : vector<1x256xf32> to vector<1024x256xf32>
    %add3A_43 = arith.addf %dot_general3A_36, %add3A_42 : vector<1024x256xf32>
    %max3A = arith.constant 0.000000e+00 : f32
    %max3A_44 = vector.broadcast %max3A : f32 to vector<1024x256xf32>
    %max3A_45 = arith.maximumf %add3A_43, %max3A_44 : vector<1024x256xf32>
    %get3A_46 = arith.constant 0 : index
    %get3A_47 = arith.constant 0 : index
    %get3A_48 = arith.constant 0 : index
    %get3A_49 = vector.load %arg4[%get3A_46, %get3A_47, %get3A_48] : memref<1x256x128xf32, #tpu.memory_space<vmem>>, vector<1x256x128xf32>
    %get3A_50 = vector.shape_cast %get3A_49 : vector<1x256x128xf32> to vector<256x128xf32>
    %dot_general3A_51 = arith.constant dense<0.000000e+00> : vector<1024x128xf32>
    %dot_general3A_52 = tpu.matmul %max3A_45, %get3A_50, %dot_general3A_51 {dimension_numbers = #tpu.dot_dimension_numbers<[1], [0], [0], [1], [0, 0, 1, 1], [], []>, transpose_lhs_hint = false} : vector<1024x256xf32>, vector<256x128xf32>, vector<1024x128xf32> -> vector<1024x128xf32>
    %get3A_53 = arith.constant 0 : index
    %get3A_54 = arith.constant 0 : index
    %get3A_55 = arith.constant 0 : index
    %get3A_56 = vector.load %arg5[%get3A_53, %get3A_54, %get3A_55] : memref<1x1x128xf32, #tpu.memory_space<vmem>>, vector<1x1x128xf32>
    %get3A_57 = vector.shape_cast %get3A_56 : vector<1x1x128xf32> to vector<1x128xf32>
    %add3A_58 = vector.broadcast %get3A_57 : vector<1x128xf32> to vector<1024x128xf32>
    %add3A_59 = arith.addf %dot_general3A_52, %add3A_58 : vector<1024x128xf32>
    %max3A_60 = arith.constant 0.000000e+00 : f32
    %max3A_61 = vector.broadcast %max3A_60 : f32 to vector<1024x128xf32>
    %max3A_62 = arith.maximumf %add3A_59, %max3A_61 : vector<1024x128xf32>
    %get3A_63 = arith.constant 0 : index
    %get3A_64 = arith.constant 0 : index
    %get3A_65 = arith.constant 0 : index
    %get3A_66 = vector.load %arg6[%get3A_63, %get3A_64, %get3A_65] : memref<1x128x32xf32, #tpu.memory_space<vmem>>, vector<1x128x32xf32>
    %get3A_67 = vector.shape_cast %get3A_66 : vector<1x128x32xf32> to vector<128x32xf32>
    %dot_general3A_68 = arith.constant dense<0.000000e+00> : vector<1024x32xf32>
    %dot_general3A_69 = tpu.matmul %max3A_62, %get3A_67, %dot_general3A_68 {dimension_numbers = #tpu.dot_dimension_numbers<[1], [0], [0], [1], [0, 0, 1, 1], [], []>, transpose_lhs_hint = false} : vector<1024x128xf32>, vector<128x32xf32>, vector<1024x32xf32> -> vector<1024x32xf32>
    %get3A_70 = arith.constant 0 : index
    %get3A_71 = arith.constant 0 : index
    %get3A_72 = arith.constant 0 : index
    %get3A_73 = vector.load %arg7[%get3A_70, %get3A_71, %get3A_72] : memref<1x1x32xf32, #tpu.memory_space<vmem>>, vector<1x1x32xf32>
    %get3A_74 = vector.shape_cast %get3A_73 : vector<1x1x32xf32> to vector<1x32xf32>
    %add3A_75 = vector.broadcast %get3A_74 : vector<1x32xf32> to vector<1024x32xf32>
    %add3A_76 = arith.addf %dot_general3A_69, %add3A_75 : vector<1024x32xf32>
    %max3A_77 = arith.constant 0.000000e+00 : f32
    %max3A_78 = vector.broadcast %max3A_77 : f32 to vector<1024x32xf32>
    %max3A_79 = arith.maximumf %add3A_76, %max3A_78 : vector<1024x32xf32>
    %broadcast_in_dim3A = arith.constant -1.000000e+00 : f32
    %broadcast_in_dim3A_80 = vector.broadcast %broadcast_in_dim3A : f32 to vector<1024x1xf32>
    %broadcast_in_dim3A_81 = arith.constant 0.000000e+00 : f32
    %broadcast_in_dim3A_82 = vector.broadcast %broadcast_in_dim3A_81 : f32 to vector<1024x7xf32>
    %concatenate3A = tpu.concatenate %max3A_79, %broadcast_in_dim3A_80, %broadcast_in_dim3A_82 in 1 : vector<1024x32xf32>, vector<1024x1xf32>, vector<1024x7xf32> -> vector<1024x40xf32>
    %broadcast_in_dim3A_83 = arith.constant 0xFF800000 : f32
    %broadcast_in_dim3A_84 = vector.broadcast %broadcast_in_dim3A_83 : f32 to vector<1024x128xf32>
    %broadcast_in_dim3A_85 = arith.constant 0.000000e+00 : f32
    %broadcast_in_dim3A_86 = vector.broadcast %broadcast_in_dim3A_85 : f32 to vector<1024x128xf32>
    %get3A_87 = arith.constant 0 : index
    %get3A_88 = arith.constant 0 : index
    %get3A_89 = vector.load %arg8[%get3A_87, %get3A_88] : memref<32x8192xf32, #tpu.memory_space<vmem>>, vector<32x1024xf32>
    %mul3A = arith.mulf %get3A_89, %get3A_89 : vector<32x1024xf32>
    %reduce_sum3A = arith.constant dense<0.000000e+00> : vector<1024xf32>
    %reduce_sum3A_90 = vector.multi_reduction <add>, %mul3A, %reduce_sum3A [0] : vector<32x1024xf32> to vector<1024xf32>
    %broadcast_in_dim3A_91 = vector.shape_cast %reduce_sum3A_90 : vector<1024xf32> to vector<1x1024xf32>
    %mul3A_92 = arith.constant 5.000000e-01 : f32
    %mul3A_93 = vector.broadcast %mul3A_92 : f32 to vector<1x1024xf32>
    %mul3A_94 = arith.mulf %mul3A_93, %broadcast_in_dim3A_91 : vector<1x1024xf32>
    %broadcast_in_dim3A_95 = arith.constant 0.000000e+00 : f32
    %broadcast_in_dim3A_96 = vector.broadcast %broadcast_in_dim3A_95 : f32 to vector<7x1024xf32>
    %concatenate3A_97 = tpu.concatenate %get3A_89, %mul3A_94, %broadcast_in_dim3A_96 in 0 : vector<32x1024xf32>, vector<1x1024xf32>, vector<7x1024xf32> -> vector<40x1024xf32>
    %dot_general3A_98 = arith.constant dense<0.000000e+00> : vector<1024x1024xf32>
    %dot_general3A_99 = tpu.matmul %concatenate3A, %concatenate3A_97, %dot_general3A_98 {dimension_numbers = #tpu.dot_dimension_numbers<[1], [0], [0], [1], [0, 0, 1, 1], [], []>, transpose_lhs_hint = false} : vector<1024x40xf32>, vector<40x1024xf32>, vector<1024x1024xf32> -> vector<1024x1024xf32>
    %slice3A = vector.extract_strided_slice %dot_general3A_99 {offsets = [0, 0], sizes = [1024, 128], strides = [1, 1]} : vector<1024x1024xf32> to vector<1024x128xf32>
    %gt3A = arith.cmpf ogt, %slice3A, %broadcast_in_dim3A_84 : vector<1024x128xf32>
    %select_n3A_100 = arith.select %gt3A, %slice3A, %broadcast_in_dim3A_84 : vector<1024x128xi1>, vector<1024x128xf32>
    %jit3A_101 = arith.constant 0.000000e+00 : f32
    %broadcast_in_dim3A_102 = vector.broadcast %jit3A_101 : f32 to vector<1024x128xf32>
    %select_n3A_103 = arith.select %gt3A, %broadcast_in_dim3A_102, %broadcast_in_dim3A_86 : vector<1024x128xi1>, vector<1024x128xf32>
    %slice3A_104 = vector.extract_strided_slice %dot_general3A_99 {offsets = [0, 128], sizes = [1024, 128], strides = [1, 1]} : vector<1024x1024xf32> to vector<1024x128xf32>
    %gt3A_105 = arith.cmpf ogt, %slice3A_104, %select_n3A_100 : vector<1024x128xf32>
    %select_n3A_106 = arith.select %gt3A_105, %slice3A_104, %select_n3A_100 : vector<1024x128xi1>, vector<1024x128xf32>
    %jit3A_107 = arith.constant 1.000000e+00 : f32
    %broadcast_in_dim3A_108 = vector.broadcast %jit3A_107 : f32 to vector<1024x128xf32>
    %select_n3A_109 = arith.select %gt3A_105, %broadcast_in_dim3A_108, %select_n3A_103 : vector<1024x128xi1>, vector<1024x128xf32>
    %slice3A_110 = vector.extract_strided_slice %dot_general3A_99 {offsets = [0, 256], sizes = [1024, 128], strides = [1, 1]} : vector<1024x1024xf32> to vector<1024x128xf32>
    %gt3A_111 = arith.cmpf ogt, %slice3A_110, %select_n3A_106 : vector<1024x128xf32>
    %select_n3A_112 = arith.select %gt3A_111, %slice3A_110, %select_n3A_106 : vector<1024x128xi1>, vector<1024x128xf32>
    %jit3A_113 = arith.constant 2.000000e+00 : f32
    %broadcast_in_dim3A_114 = vector.broadcast %jit3A_113 : f32 to vector<1024x128xf32>
    %select_n3A_115 = arith.select %gt3A_111, %broadcast_in_dim3A_114, %select_n3A_109 : vector<1024x128xi1>, vector<1024x128xf32>
    %slice3A_116 = vector.extract_strided_slice %dot_general3A_99 {offsets = [0, 384], sizes = [1024, 128], strides = [1, 1]} : vector<1024x1024xf32> to vector<1024x128xf32>
    %gt3A_117 = arith.cmpf ogt, %slice3A_116, %select_n3A_112 : vector<1024x128xf32>
    %select_n3A_118 = arith.select %gt3A_117, %slice3A_116, %select_n3A_112 : vector<1024x128xi1>, vector<1024x128xf32>
    %jit3A_119 = arith.constant 3.000000e+00 : f32
    %broadcast_in_dim3A_120 = vector.broadcast %jit3A_119 : f32 to vector<1024x128xf32>
    %select_n3A_121 = arith.select %gt3A_117, %broadcast_in_dim3A_120, %select_n3A_115 : vector<1024x128xi1>, vector<1024x128xf32>
    %slice3A_122 = vector.extract_strided_slice %dot_general3A_99 {offsets = [0, 512], sizes = [1024, 128], strides = [1, 1]} : vector<1024x1024xf32> to vector<1024x128xf32>
    %gt3A_123 = arith.cmpf ogt, %slice3A_122, %select_n3A_118 : vector<1024x128xf32>
    %select_n3A_124 = arith.select %gt3A_123, %slice3A_122, %select_n3A_118 : vector<1024x128xi1>, vector<1024x128xf32>
    %jit3A_125 = arith.constant 4.000000e+00 : f32
    %broadcast_in_dim3A_126 = vector.broadcast %jit3A_125 : f32 to vector<1024x128xf32>
    %select_n3A_127 = arith.select %gt3A_123, %broadcast_in_dim3A_126, %select_n3A_121 : vector<1024x128xi1>, vector<1024x128xf32>
    %slice3A_128 = vector.extract_strided_slice %dot_general3A_99 {offsets = [0, 640], sizes = [1024, 128], strides = [1, 1]} : vector<1024x1024xf32> to vector<1024x128xf32>
    %gt3A_129 = arith.cmpf ogt, %slice3A_128, %select_n3A_124 : vector<1024x128xf32>
    %select_n3A_130 = arith.select %gt3A_129, %slice3A_128, %select_n3A_124 : vector<1024x128xi1>, vector<1024x128xf32>
    %jit3A_131 = arith.constant 5.000000e+00 : f32
    %broadcast_in_dim3A_132 = vector.broadcast %jit3A_131 : f32 to vector<1024x128xf32>
    %select_n3A_133 = arith.select %gt3A_129, %broadcast_in_dim3A_132, %select_n3A_127 : vector<1024x128xi1>, vector<1024x128xf32>
    %slice3A_134 = vector.extract_strided_slice %dot_general3A_99 {offsets = [0, 768], sizes = [1024, 128], strides = [1, 1]} : vector<1024x1024xf32> to vector<1024x128xf32>
    %gt3A_135 = arith.cmpf ogt, %slice3A_134, %select_n3A_130 : vector<1024x128xf32>
    %select_n3A_136 = arith.select %gt3A_135, %slice3A_134, %select_n3A_130 : vector<1024x128xi1>, vector<1024x128xf32>
    %jit3A_137 = arith.constant 6.000000e+00 : f32
    %broadcast_in_dim3A_138 = vector.broadcast %jit3A_137 : f32 to vector<1024x128xf32>
    %select_n3A_139 = arith.select %gt3A_135, %broadcast_in_dim3A_138, %select_n3A_133 : vector<1024x128xi1>, vector<1024x128xf32>
    %slice3A_140 = vector.extract_strided_slice %dot_general3A_99 {offsets = [0, 896], sizes = [1024, 128], strides = [1, 1]} : vector<1024x1024xf32> to vector<1024x128xf32>
    %gt3A_141 = arith.cmpf ogt, %slice3A_140, %select_n3A_136 : vector<1024x128xf32>
    %select_n3A_142 = arith.select %gt3A_141, %slice3A_140, %select_n3A_136 : vector<1024x128xi1>, vector<1024x128xf32>
    %jit3A_143 = arith.constant 7.000000e+00 : f32
    %broadcast_in_dim3A_144 = vector.broadcast %jit3A_143 : f32 to vector<1024x128xf32>
    %select_n3A_145 = arith.select %gt3A_141, %broadcast_in_dim3A_144, %select_n3A_139 : vector<1024x128xi1>, vector<1024x128xf32>
    %get3A_146 = arith.constant 0 : index
    %get3A_147 = arith.constant 1024 : index
    %get3A_148 = vector.load %arg8[%get3A_146, %get3A_147] : memref<32x8192xf32, #tpu.memory_space<vmem>>, vector<32x1024xf32>
    %mul3A_149 = arith.mulf %get3A_148, %get3A_148 : vector<32x1024xf32>
    %reduce_sum3A_150 = arith.constant dense<0.000000e+00> : vector<1024xf32>
    %reduce_sum3A_151 = vector.multi_reduction <add>, %mul3A_149, %reduce_sum3A_150 [0] : vector<32x1024xf32> to vector<1024xf32>
    %broadcast_in_dim3A_152 = vector.shape_cast %reduce_sum3A_151 : vector<1024xf32> to vector<1x1024xf32>
    %mul3A_153 = arith.constant 5.000000e-01 : f32
    %mul3A_154 = vector.broadcast %mul3A_153 : f32 to vector<1x1024xf32>
    %mul3A_155 = arith.mulf %mul3A_154, %broadcast_in_dim3A_152 : vector<1x1024xf32>
    %broadcast_in_dim3A_156 = arith.constant 0.000000e+00 : f32
    %broadcast_in_dim3A_157 = vector.broadcast %broadcast_in_dim3A_156 : f32 to vector<7x1024xf32>
    %concatenate3A_158 = tpu.concatenate %get3A_148, %mul3A_155, %broadcast_in_dim3A_157 in 0 : vector<32x1024xf32>, vector<1x1024xf32>, vector<7x1024xf32> -> vector<40x1024xf32>
    %dot_general3A_159 = arith.constant dense<0.000000e+00> : vector<1024x1024xf32>
    %dot_general3A_160 = tpu.matmul %concatenate3A, %concatenate3A_158, %dot_general3A_159 {dimension_numbers = #tpu.dot_dimension_numbers<[1], [0], [0], [1], [0, 0, 1, 1], [], []>, transpose_lhs_hint = false} : vector<1024x40xf32>, vector<40x1024xf32>, vector<1024x1024xf32> -> vector<1024x1024xf32>
    %slice3A_161 = vector.extract_strided_slice %dot_general3A_160 {offsets = [0, 0], sizes = [1024, 128], strides = [1, 1]} : vector<1024x1024xf32> to vector<1024x128xf32>
    %gt3A_162 = arith.cmpf ogt, %slice3A_161, %select_n3A_142 : vector<1024x128xf32>
    %select_n3A_163 = arith.select %gt3A_162, %slice3A_161, %select_n3A_142 : vector<1024x128xi1>, vector<1024x128xf32>
    %jit3A_164 = arith.constant 8.000000e+00 : f32
    %broadcast_in_dim3A_165 = vector.broadcast %jit3A_164 : f32 to vector<1024x128xf32>
    %select_n3A_166 = arith.select %gt3A_162, %broadcast_in_dim3A_165, %select_n3A_145 : vector<1024x128xi1>, vector<1024x128xf32>
    %slice3A_167 = vector.extract_strided_slice %dot_general3A_160 {offsets = [0, 128], sizes = [1024, 128], strides = [1, 1]} : vector<1024x1024xf32> to vector<1024x128xf32>
    %gt3A_168 = arith.cmpf ogt, %slice3A_167, %select_n3A_163 : vector<1024x128xf32>
    %select_n3A_169 = arith.select %gt3A_168, %slice3A_167, %select_n3A_163 : vector<1024x128xi1>, vector<1024x128xf32>
    %jit3A_170 = arith.constant 9.000000e+00 : f32
    %broadcast_in_dim3A_171 = vector.broadcast %jit3A_170 : f32 to vector<1024x128xf32>
    %select_n3A_172 = arith.select %gt3A_168, %broadcast_in_dim3A_171, %select_n3A_166 : vector<1024x128xi1>, vector<1024x128xf32>
    %slice3A_173 = vector.extract_strided_slice %dot_general3A_160 {offsets = [0, 256], sizes = [1024, 128], strides = [1, 1]} : vector<1024x1024xf32> to vector<1024x128xf32>
    %gt3A_174 = arith.cmpf ogt, %slice3A_173, %select_n3A_169 : vector<1024x128xf32>
    %select_n3A_175 = arith.select %gt3A_174, %slice3A_173, %select_n3A_169 : vector<1024x128xi1>, vector<1024x128xf32>
    %jit3A_176 = arith.constant 1.000000e+01 : f32
    %broadcast_in_dim3A_177 = vector.broadcast %jit3A_176 : f32 to vector<1024x128xf32>
    %select_n3A_178 = arith.select %gt3A_174, %broadcast_in_dim3A_177, %select_n3A_172 : vector<1024x128xi1>, vector<1024x128xf32>
    %slice3A_179 = vector.extract_strided_slice %dot_general3A_160 {offsets = [0, 384], sizes = [1024, 128], strides = [1, 1]} : vector<1024x1024xf32> to vector<1024x128xf32>
    %gt3A_180 = arith.cmpf ogt, %slice3A_179, %select_n3A_175 : vector<1024x128xf32>
    %select_n3A_181 = arith.select %gt3A_180, %slice3A_179, %select_n3A_175 : vector<1024x128xi1>, vector<1024x128xf32>
    %jit3A_182 = arith.constant 1.100000e+01 : f32
    %broadcast_in_dim3A_183 = vector.broadcast %jit3A_182 : f32 to vector<1024x128xf32>
    %select_n3A_184 = arith.select %gt3A_180, %broadcast_in_dim3A_183, %select_n3A_178 : vector<1024x128xi1>, vector<1024x128xf32>
    %slice3A_185 = vector.extract_strided_slice %dot_general3A_160 {offsets = [0, 512], sizes = [1024, 128], strides = [1, 1]} : vector<1024x1024xf32> to vector<1024x128xf32>
    %gt3A_186 = arith.cmpf ogt, %slice3A_185, %select_n3A_181 : vector<1024x128xf32>
    %select_n3A_187 = arith.select %gt3A_186, %slice3A_185, %select_n3A_181 : vector<1024x128xi1>, vector<1024x128xf32>
    %jit3A_188 = arith.constant 1.200000e+01 : f32
    %broadcast_in_dim3A_189 = vector.broadcast %jit3A_188 : f32 to vector<1024x128xf32>
    %select_n3A_190 = arith.select %gt3A_186, %broadcast_in_dim3A_189, %select_n3A_184 : vector<1024x128xi1>, vector<1024x128xf32>
    %slice3A_191 = vector.extract_strided_slice %dot_general3A_160 {offsets = [0, 640], sizes = [1024, 128], strides = [1, 1]} : vector<1024x1024xf32> to vector<1024x128xf32>
    %gt3A_192 = arith.cmpf ogt, %slice3A_191, %select_n3A_187 : vector<1024x128xf32>
    %select_n3A_193 = arith.select %gt3A_192, %slice3A_191, %select_n3A_187 : vector<1024x128xi1>, vector<1024x128xf32>
    %jit3A_194 = arith.constant 1.300000e+01 : f32
    %broadcast_in_dim3A_195 = vector.broadcast %jit3A_194 : f32 to vector<1024x128xf32>
    %select_n3A_196 = arith.select %gt3A_192, %broadcast_in_dim3A_195, %select_n3A_190 : vector<1024x128xi1>, vector<1024x128xf32>
    %slice3A_197 = vector.extract_strided_slice %dot_general3A_160 {offsets = [0, 768], sizes = [1024, 128], strides = [1, 1]} : vector<1024x1024xf32> to vector<1024x128xf32>
    %gt3A_198 = arith.cmpf ogt, %slice3A_197, %select_n3A_193 : vector<1024x128xf32>
    %select_n3A_199 = arith.select %gt3A_198, %slice3A_197, %select_n3A_193 : vector<1024x128xi1>, vector<1024x128xf32>
    %jit3A_200 = arith.constant 1.400000e+01 : f32
    %broadcast_in_dim3A_201 = vector.broadcast %jit3A_200 : f32 to vector<1024x128xf32>
    %select_n3A_202 = arith.select %gt3A_198, %broadcast_in_dim3A_201, %select_n3A_196 : vector<1024x128xi1>, vector<1024x128xf32>
    %slice3A_203 = vector.extract_strided_slice %dot_general3A_160 {offsets = [0, 896], sizes = [1024, 128], strides = [1, 1]} : vector<1024x1024xf32> to vector<1024x128xf32>
    %gt3A_204 = arith.cmpf ogt, %slice3A_203, %select_n3A_199 : vector<1024x128xf32>
    %select_n3A_205 = arith.select %gt3A_204, %slice3A_203, %select_n3A_199 : vector<1024x128xi1>, vector<1024x128xf32>
    %jit3A_206 = arith.constant 1.500000e+01 : f32
    %broadcast_in_dim3A_207 = vector.broadcast %jit3A_206 : f32 to vector<1024x128xf32>
    %select_n3A_208 = arith.select %gt3A_204, %broadcast_in_dim3A_207, %select_n3A_202 : vector<1024x128xi1>, vector<1024x128xf32>
    %get3A_209 = arith.constant 0 : index
    %get3A_210 = arith.constant 2048 : index
    %get3A_211 = vector.load %arg8[%get3A_209, %get3A_210] : memref<32x8192xf32, #tpu.memory_space<vmem>>, vector<32x1024xf32>
    %mul3A_212 = arith.mulf %get3A_211, %get3A_211 : vector<32x1024xf32>
    %reduce_sum3A_213 = arith.constant dense<0.000000e+00> : vector<1024xf32>
    %reduce_sum3A_214 = vector.multi_reduction <add>, %mul3A_212, %reduce_sum3A_213 [0] : vector<32x1024xf32> to vector<1024xf32>
    %broadcast_in_dim3A_215 = vector.shape_cast %reduce_sum3A_214 : vector<1024xf32> to vector<1x1024xf32>
    %mul3A_216 = arith.constant 5.000000e-01 : f32
    %mul3A_217 = vector.broadcast %mul3A_216 : f32 to vector<1x1024xf32>
    %mul3A_218 = arith.mulf %mul3A_217, %broadcast_in_dim3A_215 : vector<1x1024xf32>
    %broadcast_in_dim3A_219 = arith.constant 0.000000e+00 : f32
    %broadcast_in_dim3A_220 = vector.broadcast %broadcast_in_dim3A_219 : f32 to vector<7x1024xf32>
    %concatenate3A_221 = tpu.concatenate %get3A_211, %mul3A_218, %broadcast_in_dim3A_220 in 0 : vector<32x1024xf32>, vector<1x1024xf32>, vector<7x1024xf32> -> vector<40x1024xf32>
    %dot_general3A_222 = arith.constant dense<0.000000e+00> : vector<1024x1024xf32>
    %dot_general3A_223 = tpu.matmul %concatenate3A, %concatenate3A_221, %dot_general3A_222 {dimension_numbers = #tpu.dot_dimension_numbers<[1], [0], [0], [1], [0, 0, 1, 1], [], []>, transpose_lhs_hint = false} : vector<1024x40xf32>, vector<40x1024xf32>, vector<1024x1024xf32> -> vector<1024x1024xf32>
    %slice3A_224 = vector.extract_strided_slice %dot_general3A_223 {offsets = [0, 0], sizes = [1024, 128], strides = [1, 1]} : vector<1024x1024xf32> to vector<1024x128xf32>
    %gt3A_225 = arith.cmpf ogt, %slice3A_224, %select_n3A_205 : vector<1024x128xf32>
    %select_n3A_226 = arith.select %gt3A_225, %slice3A_224, %select_n3A_205 : vector<1024x128xi1>, vector<1024x128xf32>
    %jit3A_227 = arith.constant 1.600000e+01 : f32
    %broadcast_in_dim3A_228 = vector.broadcast %jit3A_227 : f32 to vector<1024x128xf32>
    %select_n3A_229 = arith.select %gt3A_225, %broadcast_in_dim3A_228, %select_n3A_208 : vector<1024x128xi1>, vector<1024x128xf32>
    %slice3A_230 = vector.extract_strided_slice %dot_general3A_223 {offsets = [0, 128], sizes = [1024, 128], strides = [1, 1]} : vector<1024x1024xf32> to vector<1024x128xf32>
    %gt3A_231 = arith.cmpf ogt, %slice3A_230, %select_n3A_226 : vector<1024x128xf32>
    %select_n3A_232 = arith.select %gt3A_231, %slice3A_230, %select_n3A_226 : vector<1024x128xi1>, vector<1024x128xf32>
    %jit3A_233 = arith.constant 1.700000e+01 : f32
    %broadcast_in_dim3A_234 = vector.broadcast %jit3A_233 : f32 to vector<1024x128xf32>
    %select_n3A_235 = arith.select %gt3A_231, %broadcast_in_dim3A_234, %select_n3A_229 : vector<1024x128xi1>, vector<1024x128xf32>
    %slice3A_236 = vector.extract_strided_slice %dot_general3A_223 {offsets = [0, 256], sizes = [1024, 128], strides = [1, 1]} : vector<1024x1024xf32> to vector<1024x128xf32>
    %gt3A_237 = arith.cmpf ogt, %slice3A_236, %select_n3A_232 : vector<1024x128xf32>
    %select_n3A_238 = arith.select %gt3A_237, %slice3A_236, %select_n3A_232 : vector<1024x128xi1>, vector<1024x128xf32>
    %jit3A_239 = arith.constant 1.800000e+01 : f32
    %broadcast_in_dim3A_240 = vector.broadcast %jit3A_239 : f32 to vector<1024x128xf32>
    %select_n3A_241 = arith.select %gt3A_237, %broadcast_in_dim3A_240, %select_n3A_235 : vector<1024x128xi1>, vector<1024x128xf32>
    %slice3A_242 = vector.extract_strided_slice %dot_general3A_223 {offsets = [0, 384], sizes = [1024, 128], strides = [1, 1]} : vector<1024x1024xf32> to vector<1024x128xf32>
    %gt3A_243 = arith.cmpf ogt, %slice3A_242, %select_n3A_238 : vector<1024x128xf32>
    %select_n3A_244 = arith.select %gt3A_243, %slice3A_242, %select_n3A_238 : vector<1024x128xi1>, vector<1024x128xf32>
    %jit3A_245 = arith.constant 1.900000e+01 : f32
    %broadcast_in_dim3A_246 = vector.broadcast %jit3A_245 : f32 to vector<1024x128xf32>
    %select_n3A_247 = arith.select %gt3A_243, %broadcast_in_dim3A_246, %select_n3A_241 : vector<1024x128xi1>, vector<1024x128xf32>
    %slice3A_248 = vector.extract_strided_slice %dot_general3A_223 {offsets = [0, 512], sizes = [1024, 128], strides = [1, 1]} : vector<1024x1024xf32> to vector<1024x128xf32>
    %gt3A_249 = arith.cmpf ogt, %slice3A_248, %select_n3A_244 : vector<1024x128xf32>
    %select_n3A_250 = arith.select %gt3A_249, %slice3A_248, %select_n3A_244 : vector<1024x128xi1>, vector<1024x128xf32>
    %jit3A_251 = arith.constant 2.000000e+01 : f32
    %broadcast_in_dim3A_252 = vector.broadcast %jit3A_251 : f32 to vector<1024x128xf32>
    %select_n3A_253 = arith.select %gt3A_249, %broadcast_in_dim3A_252, %select_n3A_247 : vector<1024x128xi1>, vector<1024x128xf32>
    %slice3A_254 = vector.extract_strided_slice %dot_general3A_223 {offsets = [0, 640], sizes = [1024, 128], strides = [1, 1]} : vector<1024x1024xf32> to vector<1024x128xf32>
    %gt3A_255 = arith.cmpf ogt, %slice3A_254, %select_n3A_250 : vector<1024x128xf32>
    %select_n3A_256 = arith.select %gt3A_255, %slice3A_254, %select_n3A_250 : vector<1024x128xi1>, vector<1024x128xf32>
    %jit3A_257 = arith.constant 2.100000e+01 : f32
    %broadcast_in_dim3A_258 = vector.broadcast %jit3A_257 : f32 to vector<1024x128xf32>
    %select_n3A_259 = arith.select %gt3A_255, %broadcast_in_dim3A_258, %select_n3A_253 : vector<1024x128xi1>, vector<1024x128xf32>
    %slice3A_260 = vector.extract_strided_slice %dot_general3A_223 {offsets = [0, 768], sizes = [1024, 128], strides = [1, 1]} : vector<1024x1024xf32> to vector<1024x128xf32>
    %gt3A_261 = arith.cmpf ogt, %slice3A_260, %select_n3A_256 : vector<1024x128xf32>
    %select_n3A_262 = arith.select %gt3A_261, %slice3A_260, %select_n3A_256 : vector<1024x128xi1>, vector<1024x128xf32>
    %jit3A_263 = arith.constant 2.200000e+01 : f32
    %broadcast_in_dim3A_264 = vector.broadcast %jit3A_263 : f32 to vector<1024x128xf32>
    %select_n3A_265 = arith.select %gt3A_261, %broadcast_in_dim3A_264, %select_n3A_259 : vector<1024x128xi1>, vector<1024x128xf32>
    %slice3A_266 = vector.extract_strided_slice %dot_general3A_223 {offsets = [0, 896], sizes = [1024, 128], strides = [1, 1]} : vector<1024x1024xf32> to vector<1024x128xf32>
    %gt3A_267 = arith.cmpf ogt, %slice3A_266, %select_n3A_262 : vector<1024x128xf32>
    %select_n3A_268 = arith.select %gt3A_267, %slice3A_266, %select_n3A_262 : vector<1024x128xi1>, vector<1024x128xf32>
    %jit3A_269 = arith.constant 2.300000e+01 : f32
    %broadcast_in_dim3A_270 = vector.broadcast %jit3A_269 : f32 to vector<1024x128xf32>
    %select_n3A_271 = arith.select %gt3A_267, %broadcast_in_dim3A_270, %select_n3A_265 : vector<1024x128xi1>, vector<1024x128xf32>
    %get3A_272 = arith.constant 0 : index
    %get3A_273 = arith.constant 3072 : index
    %get3A_274 = vector.load %arg8[%get3A_272, %get3A_273] : memref<32x8192xf32, #tpu.memory_space<vmem>>, vector<32x1024xf32>
    %mul3A_275 = arith.mulf %get3A_274, %get3A_274 : vector<32x1024xf32>
    %reduce_sum3A_276 = arith.constant dense<0.000000e+00> : vector<1024xf32>
    %reduce_sum3A_277 = vector.multi_reduction <add>, %mul3A_275, %reduce_sum3A_276 [0] : vector<32x1024xf32> to vector<1024xf32>
    %broadcast_in_dim3A_278 = vector.shape_cast %reduce_sum3A_277 : vector<1024xf32> to vector<1x1024xf32>
    %mul3A_279 = arith.constant 5.000000e-01 : f32
    %mul3A_280 = vector.broadcast %mul3A_279 : f32 to vector<1x1024xf32>
    %mul3A_281 = arith.mulf %mul3A_280, %broadcast_in_dim3A_278 : vector<1x1024xf32>
    %broadcast_in_dim3A_282 = arith.constant 0.000000e+00 : f32
    %broadcast_in_dim3A_283 = vector.broadcast %broadcast_in_dim3A_282 : f32 to vector<7x1024xf32>
    %concatenate3A_284 = tpu.concatenate %get3A_274, %mul3A_281, %broadcast_in_dim3A_283 in 0 : vector<32x1024xf32>, vector<1x1024xf32>, vector<7x1024xf32> -> vector<40x1024xf32>
    %dot_general3A_285 = arith.constant dense<0.000000e+00> : vector<1024x1024xf32>
    %dot_general3A_286 = tpu.matmul %concatenate3A, %concatenate3A_284, %dot_general3A_285 {dimension_numbers = #tpu.dot_dimension_numbers<[1], [0], [0], [1], [0, 0, 1, 1], [], []>, transpose_lhs_hint = false} : vector<1024x40xf32>, vector<40x1024xf32>, vector<1024x1024xf32> -> vector<1024x1024xf32>
    %slice3A_287 = vector.extract_strided_slice %dot_general3A_286 {offsets = [0, 0], sizes = [1024, 128], strides = [1, 1]} : vector<1024x1024xf32> to vector<1024x128xf32>
    %gt3A_288 = arith.cmpf ogt, %slice3A_287, %select_n3A_268 : vector<1024x128xf32>
    %select_n3A_289 = arith.select %gt3A_288, %slice3A_287, %select_n3A_268 : vector<1024x128xi1>, vector<1024x128xf32>
    %jit3A_290 = arith.constant 2.400000e+01 : f32
    %broadcast_in_dim3A_291 = vector.broadcast %jit3A_290 : f32 to vector<1024x128xf32>
    %select_n3A_292 = arith.select %gt3A_288, %broadcast_in_dim3A_291, %select_n3A_271 : vector<1024x128xi1>, vector<1024x128xf32>
    %slice3A_293 = vector.extract_strided_slice %dot_general3A_286 {offsets = [0, 128], sizes = [1024, 128], strides = [1, 1]} : vector<1024x1024xf32> to vector<1024x128xf32>
    %gt3A_294 = arith.cmpf ogt, %slice3A_293, %select_n3A_289 : vector<1024x128xf32>
    %select_n3A_295 = arith.select %gt3A_294, %slice3A_293, %select_n3A_289 : vector<1024x128xi1>, vector<1024x128xf32>
    %jit3A_296 = arith.constant 2.500000e+01 : f32
    %broadcast_in_dim3A_297 = vector.broadcast %jit3A_296 : f32 to vector<1024x128xf32>
    %select_n3A_298 = arith.select %gt3A_294, %broadcast_in_dim3A_297, %select_n3A_292 : vector<1024x128xi1>, vector<1024x128xf32>
    %slice3A_299 = vector.extract_strided_slice %dot_general3A_286 {offsets = [0, 256], sizes = [1024, 128], strides = [1, 1]} : vector<1024x1024xf32> to vector<1024x128xf32>
    %gt3A_300 = arith.cmpf ogt, %slice3A_299, %select_n3A_295 : vector<1024x128xf32>
    %select_n3A_301 = arith.select %gt3A_300, %slice3A_299, %select_n3A_295 : vector<1024x128xi1>, vector<1024x128xf32>
    %jit3A_302 = arith.constant 2.600000e+01 : f32
    %broadcast_in_dim3A_303 = vector.broadcast %jit3A_302 : f32 to vector<1024x128xf32>
    %select_n3A_304 = arith.select %gt3A_300, %broadcast_in_dim3A_303, %select_n3A_298 : vector<1024x128xi1>, vector<1024x128xf32>
    %slice3A_305 = vector.extract_strided_slice %dot_general3A_286 {offsets = [0, 384], sizes = [1024, 128], strides = [1, 1]} : vector<1024x1024xf32> to vector<1024x128xf32>
    %gt3A_306 = arith.cmpf ogt, %slice3A_305, %select_n3A_301 : vector<1024x128xf32>
    %select_n3A_307 = arith.select %gt3A_306, %slice3A_305, %select_n3A_301 : vector<1024x128xi1>, vector<1024x128xf32>
    %jit3A_308 = arith.constant 2.700000e+01 : f32
    %broadcast_in_dim3A_309 = vector.broadcast %jit3A_308 : f32 to vector<1024x128xf32>
    %select_n3A_310 = arith.select %gt3A_306, %broadcast_in_dim3A_309, %select_n3A_304 : vector<1024x128xi1>, vector<1024x128xf32>
    %slice3A_311 = vector.extract_strided_slice %dot_general3A_286 {offsets = [0, 512], sizes = [1024, 128], strides = [1, 1]} : vector<1024x1024xf32> to vector<1024x128xf32>
    %gt3A_312 = arith.cmpf ogt, %slice3A_311, %select_n3A_307 : vector<1024x128xf32>
    %select_n3A_313 = arith.select %gt3A_312, %slice3A_311, %select_n3A_307 : vector<1024x128xi1>, vector<1024x128xf32>
    %jit3A_314 = arith.constant 2.800000e+01 : f32
    %broadcast_in_dim3A_315 = vector.broadcast %jit3A_314 : f32 to vector<1024x128xf32>
    %select_n3A_316 = arith.select %gt3A_312, %broadcast_in_dim3A_315, %select_n3A_310 : vector<1024x128xi1>, vector<1024x128xf32>
    %slice3A_317 = vector.extract_strided_slice %dot_general3A_286 {offsets = [0, 640], sizes = [1024, 128], strides = [1, 1]} : vector<1024x1024xf32> to vector<1024x128xf32>
    %gt3A_318 = arith.cmpf ogt, %slice3A_317, %select_n3A_313 : vector<1024x128xf32>
    %select_n3A_319 = arith.select %gt3A_318, %slice3A_317, %select_n3A_313 : vector<1024x128xi1>, vector<1024x128xf32>
    %jit3A_320 = arith.constant 2.900000e+01 : f32
    %broadcast_in_dim3A_321 = vector.broadcast %jit3A_320 : f32 to vector<1024x128xf32>
    %select_n3A_322 = arith.select %gt3A_318, %broadcast_in_dim3A_321, %select_n3A_316 : vector<1024x128xi1>, vector<1024x128xf32>
    %slice3A_323 = vector.extract_strided_slice %dot_general3A_286 {offsets = [0, 768], sizes = [1024, 128], strides = [1, 1]} : vector<1024x1024xf32> to vector<1024x128xf32>
    %gt3A_324 = arith.cmpf ogt, %slice3A_323, %select_n3A_319 : vector<1024x128xf32>
    %select_n3A_325 = arith.select %gt3A_324, %slice3A_323, %select_n3A_319 : vector<1024x128xi1>, vector<1024x128xf32>
    %jit3A_326 = arith.constant 3.000000e+01 : f32
    %broadcast_in_dim3A_327 = vector.broadcast %jit3A_326 : f32 to vector<1024x128xf32>
    %select_n3A_328 = arith.select %gt3A_324, %broadcast_in_dim3A_327, %select_n3A_322 : vector<1024x128xi1>, vector<1024x128xf32>
    %slice3A_329 = vector.extract_strided_slice %dot_general3A_286 {offsets = [0, 896], sizes = [1024, 128], strides = [1, 1]} : vector<1024x1024xf32> to vector<1024x128xf32>
    %gt3A_330 = arith.cmpf ogt, %slice3A_329, %select_n3A_325 : vector<1024x128xf32>
    %select_n3A_331 = arith.select %gt3A_330, %slice3A_329, %select_n3A_325 : vector<1024x128xi1>, vector<1024x128xf32>
    %jit3A_332 = arith.constant 3.100000e+01 : f32
    %broadcast_in_dim3A_333 = vector.broadcast %jit3A_332 : f32 to vector<1024x128xf32>
    %select_n3A_334 = arith.select %gt3A_330, %broadcast_in_dim3A_333, %select_n3A_328 : vector<1024x128xi1>, vector<1024x128xf32>
    %get3A_335 = arith.constant 0 : index
    %get3A_336 = arith.constant 4096 : index
    %get3A_337 = vector.load %arg8[%get3A_335, %get3A_336] : memref<32x8192xf32, #tpu.memory_space<vmem>>, vector<32x1024xf32>
    %mul3A_338 = arith.mulf %get3A_337, %get3A_337 : vector<32x1024xf32>
    %reduce_sum3A_339 = arith.constant dense<0.000000e+00> : vector<1024xf32>
    %reduce_sum3A_340 = vector.multi_reduction <add>, %mul3A_338, %reduce_sum3A_339 [0] : vector<32x1024xf32> to vector<1024xf32>
    %broadcast_in_dim3A_341 = vector.shape_cast %reduce_sum3A_340 : vector<1024xf32> to vector<1x1024xf32>
    %mul3A_342 = arith.constant 5.000000e-01 : f32
    %mul3A_343 = vector.broadcast %mul3A_342 : f32 to vector<1x1024xf32>
    %mul3A_344 = arith.mulf %mul3A_343, %broadcast_in_dim3A_341 : vector<1x1024xf32>
    %broadcast_in_dim3A_345 = arith.constant 0.000000e+00 : f32
    %broadcast_in_dim3A_346 = vector.broadcast %broadcast_in_dim3A_345 : f32 to vector<7x1024xf32>
    %concatenate3A_347 = tpu.concatenate %get3A_337, %mul3A_344, %broadcast_in_dim3A_346 in 0 : vector<32x1024xf32>, vector<1x1024xf32>, vector<7x1024xf32> -> vector<40x1024xf32>
    %dot_general3A_348 = arith.constant dense<0.000000e+00> : vector<1024x1024xf32>
    %dot_general3A_349 = tpu.matmul %concatenate3A, %concatenate3A_347, %dot_general3A_348 {dimension_numbers = #tpu.dot_dimension_numbers<[1], [0], [0], [1], [0, 0, 1, 1], [], []>, transpose_lhs_hint = false} : vector<1024x40xf32>, vector<40x1024xf32>, vector<1024x1024xf32> -> vector<1024x1024xf32>
    %slice3A_350 = vector.extract_strided_slice %dot_general3A_349 {offsets = [0, 0], sizes = [1024, 128], strides = [1, 1]} : vector<1024x1024xf32> to vector<1024x128xf32>
    %gt3A_351 = arith.cmpf ogt, %slice3A_350, %select_n3A_331 : vector<1024x128xf32>
    %select_n3A_352 = arith.select %gt3A_351, %slice3A_350, %select_n3A_331 : vector<1024x128xi1>, vector<1024x128xf32>
    %jit3A_353 = arith.constant 3.200000e+01 : f32
    %broadcast_in_dim3A_354 = vector.broadcast %jit3A_353 : f32 to vector<1024x128xf32>
    %select_n3A_355 = arith.select %gt3A_351, %broadcast_in_dim3A_354, %select_n3A_334 : vector<1024x128xi1>, vector<1024x128xf32>
    %slice3A_356 = vector.extract_strided_slice %dot_general3A_349 {offsets = [0, 128], sizes = [1024, 128], strides = [1, 1]} : vector<1024x1024xf32> to vector<1024x128xf32>
    %gt3A_357 = arith.cmpf ogt, %slice3A_356, %select_n3A_352 : vector<1024x128xf32>
    %select_n3A_358 = arith.select %gt3A_357, %slice3A_356, %select_n3A_352 : vector<1024x128xi1>, vector<1024x128xf32>
    %jit3A_359 = arith.constant 3.300000e+01 : f32
    %broadcast_in_dim3A_360 = vector.broadcast %jit3A_359 : f32 to vector<1024x128xf32>
    %select_n3A_361 = arith.select %gt3A_357, %broadcast_in_dim3A_360, %select_n3A_355 : vector<1024x128xi1>, vector<1024x128xf32>
    %slice3A_362 = vector.extract_strided_slice %dot_general3A_349 {offsets = [0, 256], sizes = [1024, 128], strides = [1, 1]} : vector<1024x1024xf32> to vector<1024x128xf32>
    %gt3A_363 = arith.cmpf ogt, %slice3A_362, %select_n3A_358 : vector<1024x128xf32>
    %select_n3A_364 = arith.select %gt3A_363, %slice3A_362, %select_n3A_358 : vector<1024x128xi1>, vector<1024x128xf32>
    %jit3A_365 = arith.constant 3.400000e+01 : f32
    %broadcast_in_dim3A_366 = vector.broadcast %jit3A_365 : f32 to vector<1024x128xf32>
    %select_n3A_367 = arith.select %gt3A_363, %broadcast_in_dim3A_366, %select_n3A_361 : vector<1024x128xi1>, vector<1024x128xf32>
    %slice3A_368 = vector.extract_strided_slice %dot_general3A_349 {offsets = [0, 384], sizes = [1024, 128], strides = [1, 1]} : vector<1024x1024xf32> to vector<1024x128xf32>
    %gt3A_369 = arith.cmpf ogt, %slice3A_368, %select_n3A_364 : vector<1024x128xf32>
    %select_n3A_370 = arith.select %gt3A_369, %slice3A_368, %select_n3A_364 : vector<1024x128xi1>, vector<1024x128xf32>
    %jit3A_371 = arith.constant 3.500000e+01 : f32
    %broadcast_in_dim3A_372 = vector.broadcast %jit3A_371 : f32 to vector<1024x128xf32>
    %select_n3A_373 = arith.select %gt3A_369, %broadcast_in_dim3A_372, %select_n3A_367 : vector<1024x128xi1>, vector<1024x128xf32>
    %slice3A_374 = vector.extract_strided_slice %dot_general3A_349 {offsets = [0, 512], sizes = [1024, 128], strides = [1, 1]} : vector<1024x1024xf32> to vector<1024x128xf32>
    %gt3A_375 = arith.cmpf ogt, %slice3A_374, %select_n3A_370 : vector<1024x128xf32>
    %select_n3A_376 = arith.select %gt3A_375, %slice3A_374, %select_n3A_370 : vector<1024x128xi1>, vector<1024x128xf32>
    %jit3A_377 = arith.constant 3.600000e+01 : f32
    %broadcast_in_dim3A_378 = vector.broadcast %jit3A_377 : f32 to vector<1024x128xf32>
    %select_n3A_379 = arith.select %gt3A_375, %broadcast_in_dim3A_378, %select_n3A_373 : vector<1024x128xi1>, vector<1024x128xf32>
    %slice3A_380 = vector.extract_strided_slice %dot_general3A_349 {offsets = [0, 640], sizes = [1024, 128], strides = [1, 1]} : vector<1024x1024xf32> to vector<1024x128xf32>
    %gt3A_381 = arith.cmpf ogt, %slice3A_380, %select_n3A_376 : vector<1024x128xf32>
    %select_n3A_382 = arith.select %gt3A_381, %slice3A_380, %select_n3A_376 : vector<1024x128xi1>, vector<1024x128xf32>
    %jit3A_383 = arith.constant 3.700000e+01 : f32
    %broadcast_in_dim3A_384 = vector.broadcast %jit3A_383 : f32 to vector<1024x128xf32>
    %select_n3A_385 = arith.select %gt3A_381, %broadcast_in_dim3A_384, %select_n3A_379 : vector<1024x128xi1>, vector<1024x128xf32>
    %slice3A_386 = vector.extract_strided_slice %dot_general3A_349 {offsets = [0, 768], sizes = [1024, 128], strides = [1, 1]} : vector<1024x1024xf32> to vector<1024x128xf32>
    %gt3A_387 = arith.cmpf ogt, %slice3A_386, %select_n3A_382 : vector<1024x128xf32>
    %select_n3A_388 = arith.select %gt3A_387, %slice3A_386, %select_n3A_382 : vector<1024x128xi1>, vector<1024x128xf32>
    %jit3A_389 = arith.constant 3.800000e+01 : f32
    %broadcast_in_dim3A_390 = vector.broadcast %jit3A_389 : f32 to vector<1024x128xf32>
    %select_n3A_391 = arith.select %gt3A_387, %broadcast_in_dim3A_390, %select_n3A_385 : vector<1024x128xi1>, vector<1024x128xf32>
    %slice3A_392 = vector.extract_strided_slice %dot_general3A_349 {offsets = [0, 896], sizes = [1024, 128], strides = [1, 1]} : vector<1024x1024xf32> to vector<1024x128xf32>
    %gt3A_393 = arith.cmpf ogt, %slice3A_392, %select_n3A_388 : vector<1024x128xf32>
    %select_n3A_394 = arith.select %gt3A_393, %slice3A_392, %select_n3A_388 : vector<1024x128xi1>, vector<1024x128xf32>
    %jit3A_395 = arith.constant 3.900000e+01 : f32
    %broadcast_in_dim3A_396 = vector.broadcast %jit3A_395 : f32 to vector<1024x128xf32>
    %select_n3A_397 = arith.select %gt3A_393, %broadcast_in_dim3A_396, %select_n3A_391 : vector<1024x128xi1>, vector<1024x128xf32>
    %get3A_398 = arith.constant 0 : index
    %get3A_399 = arith.constant 5120 : index
    %get3A_400 = vector.load %arg8[%get3A_398, %get3A_399] : memref<32x8192xf32, #tpu.memory_space<vmem>>, vector<32x1024xf32>
    %mul3A_401 = arith.mulf %get3A_400, %get3A_400 : vector<32x1024xf32>
    %reduce_sum3A_402 = arith.constant dense<0.000000e+00> : vector<1024xf32>
    %reduce_sum3A_403 = vector.multi_reduction <add>, %mul3A_401, %reduce_sum3A_402 [0] : vector<32x1024xf32> to vector<1024xf32>
    %broadcast_in_dim3A_404 = vector.shape_cast %reduce_sum3A_403 : vector<1024xf32> to vector<1x1024xf32>
    %mul3A_405 = arith.constant 5.000000e-01 : f32
    %mul3A_406 = vector.broadcast %mul3A_405 : f32 to vector<1x1024xf32>
    %mul3A_407 = arith.mulf %mul3A_406, %broadcast_in_dim3A_404 : vector<1x1024xf32>
    %broadcast_in_dim3A_408 = arith.constant 0.000000e+00 : f32
    %broadcast_in_dim3A_409 = vector.broadcast %broadcast_in_dim3A_408 : f32 to vector<7x1024xf32>
    %concatenate3A_410 = tpu.concatenate %get3A_400, %mul3A_407, %broadcast_in_dim3A_409 in 0 : vector<32x1024xf32>, vector<1x1024xf32>, vector<7x1024xf32> -> vector<40x1024xf32>
    %dot_general3A_411 = arith.constant dense<0.000000e+00> : vector<1024x1024xf32>
    %dot_general3A_412 = tpu.matmul %concatenate3A, %concatenate3A_410, %dot_general3A_411 {dimension_numbers = #tpu.dot_dimension_numbers<[1], [0], [0], [1], [0, 0, 1, 1], [], []>, transpose_lhs_hint = false} : vector<1024x40xf32>, vector<40x1024xf32>, vector<1024x1024xf32> -> vector<1024x1024xf32>
    %slice3A_413 = vector.extract_strided_slice %dot_general3A_412 {offsets = [0, 0], sizes = [1024, 128], strides = [1, 1]} : vector<1024x1024xf32> to vector<1024x128xf32>
    %gt3A_414 = arith.cmpf ogt, %slice3A_413, %select_n3A_394 : vector<1024x128xf32>
    %select_n3A_415 = arith.select %gt3A_414, %slice3A_413, %select_n3A_394 : vector<1024x128xi1>, vector<1024x128xf32>
    %jit3A_416 = arith.constant 4.000000e+01 : f32
    %broadcast_in_dim3A_417 = vector.broadcast %jit3A_416 : f32 to vector<1024x128xf32>
    %select_n3A_418 = arith.select %gt3A_414, %broadcast_in_dim3A_417, %select_n3A_397 : vector<1024x128xi1>, vector<1024x128xf32>
    %slice3A_419 = vector.extract_strided_slice %dot_general3A_412 {offsets = [0, 128], sizes = [1024, 128], strides = [1, 1]} : vector<1024x1024xf32> to vector<1024x128xf32>
    %gt3A_420 = arith.cmpf ogt, %slice3A_419, %select_n3A_415 : vector<1024x128xf32>
    %select_n3A_421 = arith.select %gt3A_420, %slice3A_419, %select_n3A_415 : vector<1024x128xi1>, vector<1024x128xf32>
    %jit3A_422 = arith.constant 4.100000e+01 : f32
    %broadcast_in_dim3A_423 = vector.broadcast %jit3A_422 : f32 to vector<1024x128xf32>
    %select_n3A_424 = arith.select %gt3A_420, %broadcast_in_dim3A_423, %select_n3A_418 : vector<1024x128xi1>, vector<1024x128xf32>
    %slice3A_425 = vector.extract_strided_slice %dot_general3A_412 {offsets = [0, 256], sizes = [1024, 128], strides = [1, 1]} : vector<1024x1024xf32> to vector<1024x128xf32>
    %gt3A_426 = arith.cmpf ogt, %slice3A_425, %select_n3A_421 : vector<1024x128xf32>
    %select_n3A_427 = arith.select %gt3A_426, %slice3A_425, %select_n3A_421 : vector<1024x128xi1>, vector<1024x128xf32>
    %jit3A_428 = arith.constant 4.200000e+01 : f32
    %broadcast_in_dim3A_429 = vector.broadcast %jit3A_428 : f32 to vector<1024x128xf32>
    %select_n3A_430 = arith.select %gt3A_426, %broadcast_in_dim3A_429, %select_n3A_424 : vector<1024x128xi1>, vector<1024x128xf32>
    %slice3A_431 = vector.extract_strided_slice %dot_general3A_412 {offsets = [0, 384], sizes = [1024, 128], strides = [1, 1]} : vector<1024x1024xf32> to vector<1024x128xf32>
    %gt3A_432 = arith.cmpf ogt, %slice3A_431, %select_n3A_427 : vector<1024x128xf32>
    %select_n3A_433 = arith.select %gt3A_432, %slice3A_431, %select_n3A_427 : vector<1024x128xi1>, vector<1024x128xf32>
    %jit3A_434 = arith.constant 4.300000e+01 : f32
    %broadcast_in_dim3A_435 = vector.broadcast %jit3A_434 : f32 to vector<1024x128xf32>
    %select_n3A_436 = arith.select %gt3A_432, %broadcast_in_dim3A_435, %select_n3A_430 : vector<1024x128xi1>, vector<1024x128xf32>
    %slice3A_437 = vector.extract_strided_slice %dot_general3A_412 {offsets = [0, 512], sizes = [1024, 128], strides = [1, 1]} : vector<1024x1024xf32> to vector<1024x128xf32>
    %gt3A_438 = arith.cmpf ogt, %slice3A_437, %select_n3A_433 : vector<1024x128xf32>
    %select_n3A_439 = arith.select %gt3A_438, %slice3A_437, %select_n3A_433 : vector<1024x128xi1>, vector<1024x128xf32>
    %jit3A_440 = arith.constant 4.400000e+01 : f32
    %broadcast_in_dim3A_441 = vector.broadcast %jit3A_440 : f32 to vector<1024x128xf32>
    %select_n3A_442 = arith.select %gt3A_438, %broadcast_in_dim3A_441, %select_n3A_436 : vector<1024x128xi1>, vector<1024x128xf32>
    %slice3A_443 = vector.extract_strided_slice %dot_general3A_412 {offsets = [0, 640], sizes = [1024, 128], strides = [1, 1]} : vector<1024x1024xf32> to vector<1024x128xf32>
    %gt3A_444 = arith.cmpf ogt, %slice3A_443, %select_n3A_439 : vector<1024x128xf32>
    %select_n3A_445 = arith.select %gt3A_444, %slice3A_443, %select_n3A_439 : vector<1024x128xi1>, vector<1024x128xf32>
    %jit3A_446 = arith.constant 4.500000e+01 : f32
    %broadcast_in_dim3A_447 = vector.broadcast %jit3A_446 : f32 to vector<1024x128xf32>
    %select_n3A_448 = arith.select %gt3A_444, %broadcast_in_dim3A_447, %select_n3A_442 : vector<1024x128xi1>, vector<1024x128xf32>
    %slice3A_449 = vector.extract_strided_slice %dot_general3A_412 {offsets = [0, 768], sizes = [1024, 128], strides = [1, 1]} : vector<1024x1024xf32> to vector<1024x128xf32>
    %gt3A_450 = arith.cmpf ogt, %slice3A_449, %select_n3A_445 : vector<1024x128xf32>
    %select_n3A_451 = arith.select %gt3A_450, %slice3A_449, %select_n3A_445 : vector<1024x128xi1>, vector<1024x128xf32>
    %jit3A_452 = arith.constant 4.600000e+01 : f32
    %broadcast_in_dim3A_453 = vector.broadcast %jit3A_452 : f32 to vector<1024x128xf32>
    %select_n3A_454 = arith.select %gt3A_450, %broadcast_in_dim3A_453, %select_n3A_448 : vector<1024x128xi1>, vector<1024x128xf32>
    %slice3A_455 = vector.extract_strided_slice %dot_general3A_412 {offsets = [0, 896], sizes = [1024, 128], strides = [1, 1]} : vector<1024x1024xf32> to vector<1024x128xf32>
    %gt3A_456 = arith.cmpf ogt, %slice3A_455, %select_n3A_451 : vector<1024x128xf32>
    %select_n3A_457 = arith.select %gt3A_456, %slice3A_455, %select_n3A_451 : vector<1024x128xi1>, vector<1024x128xf32>
    %jit3A_458 = arith.constant 4.700000e+01 : f32
    %broadcast_in_dim3A_459 = vector.broadcast %jit3A_458 : f32 to vector<1024x128xf32>
    %select_n3A_460 = arith.select %gt3A_456, %broadcast_in_dim3A_459, %select_n3A_454 : vector<1024x128xi1>, vector<1024x128xf32>
    %get3A_461 = arith.constant 0 : index
    %get3A_462 = arith.constant 6144 : index
    %get3A_463 = vector.load %arg8[%get3A_461, %get3A_462] : memref<32x8192xf32, #tpu.memory_space<vmem>>, vector<32x1024xf32>
    %mul3A_464 = arith.mulf %get3A_463, %get3A_463 : vector<32x1024xf32>
    %reduce_sum3A_465 = arith.constant dense<0.000000e+00> : vector<1024xf32>
    %reduce_sum3A_466 = vector.multi_reduction <add>, %mul3A_464, %reduce_sum3A_465 [0] : vector<32x1024xf32> to vector<1024xf32>
    %broadcast_in_dim3A_467 = vector.shape_cast %reduce_sum3A_466 : vector<1024xf32> to vector<1x1024xf32>
    %mul3A_468 = arith.constant 5.000000e-01 : f32
    %mul3A_469 = vector.broadcast %mul3A_468 : f32 to vector<1x1024xf32>
    %mul3A_470 = arith.mulf %mul3A_469, %broadcast_in_dim3A_467 : vector<1x1024xf32>
    %broadcast_in_dim3A_471 = arith.constant 0.000000e+00 : f32
    %broadcast_in_dim3A_472 = vector.broadcast %broadcast_in_dim3A_471 : f32 to vector<7x1024xf32>
    %concatenate3A_473 = tpu.concatenate %get3A_463, %mul3A_470, %broadcast_in_dim3A_472 in 0 : vector<32x1024xf32>, vector<1x1024xf32>, vector<7x1024xf32> -> vector<40x1024xf32>
    %dot_general3A_474 = arith.constant dense<0.000000e+00> : vector<1024x1024xf32>
    %dot_general3A_475 = tpu.matmul %concatenate3A, %concatenate3A_473, %dot_general3A_474 {dimension_numbers = #tpu.dot_dimension_numbers<[1], [0], [0], [1], [0, 0, 1, 1], [], []>, transpose_lhs_hint = false} : vector<1024x40xf32>, vector<40x1024xf32>, vector<1024x1024xf32> -> vector<1024x1024xf32>
    %slice3A_476 = vector.extract_strided_slice %dot_general3A_475 {offsets = [0, 0], sizes = [1024, 128], strides = [1, 1]} : vector<1024x1024xf32> to vector<1024x128xf32>
    %gt3A_477 = arith.cmpf ogt, %slice3A_476, %select_n3A_457 : vector<1024x128xf32>
    %select_n3A_478 = arith.select %gt3A_477, %slice3A_476, %select_n3A_457 : vector<1024x128xi1>, vector<1024x128xf32>
    %jit3A_479 = arith.constant 4.800000e+01 : f32
    %broadcast_in_dim3A_480 = vector.broadcast %jit3A_479 : f32 to vector<1024x128xf32>
    %select_n3A_481 = arith.select %gt3A_477, %broadcast_in_dim3A_480, %select_n3A_460 : vector<1024x128xi1>, vector<1024x128xf32>
    %slice3A_482 = vector.extract_strided_slice %dot_general3A_475 {offsets = [0, 128], sizes = [1024, 128], strides = [1, 1]} : vector<1024x1024xf32> to vector<1024x128xf32>
    %gt3A_483 = arith.cmpf ogt, %slice3A_482, %select_n3A_478 : vector<1024x128xf32>
    %select_n3A_484 = arith.select %gt3A_483, %slice3A_482, %select_n3A_478 : vector<1024x128xi1>, vector<1024x128xf32>
    %jit3A_485 = arith.constant 4.900000e+01 : f32
    %broadcast_in_dim3A_486 = vector.broadcast %jit3A_485 : f32 to vector<1024x128xf32>
    %select_n3A_487 = arith.select %gt3A_483, %broadcast_in_dim3A_486, %select_n3A_481 : vector<1024x128xi1>, vector<1024x128xf32>
    %slice3A_488 = vector.extract_strided_slice %dot_general3A_475 {offsets = [0, 256], sizes = [1024, 128], strides = [1, 1]} : vector<1024x1024xf32> to vector<1024x128xf32>
    %gt3A_489 = arith.cmpf ogt, %slice3A_488, %select_n3A_484 : vector<1024x128xf32>
    %select_n3A_490 = arith.select %gt3A_489, %slice3A_488, %select_n3A_484 : vector<1024x128xi1>, vector<1024x128xf32>
    %jit3A_491 = arith.constant 5.000000e+01 : f32
    %broadcast_in_dim3A_492 = vector.broadcast %jit3A_491 : f32 to vector<1024x128xf32>
    %select_n3A_493 = arith.select %gt3A_489, %broadcast_in_dim3A_492, %select_n3A_487 : vector<1024x128xi1>, vector<1024x128xf32>
    %slice3A_494 = vector.extract_strided_slice %dot_general3A_475 {offsets = [0, 384], sizes = [1024, 128], strides = [1, 1]} : vector<1024x1024xf32> to vector<1024x128xf32>
    %gt3A_495 = arith.cmpf ogt, %slice3A_494, %select_n3A_490 : vector<1024x128xf32>
    %select_n3A_496 = arith.select %gt3A_495, %slice3A_494, %select_n3A_490 : vector<1024x128xi1>, vector<1024x128xf32>
    %jit3A_497 = arith.constant 5.100000e+01 : f32
    %broadcast_in_dim3A_498 = vector.broadcast %jit3A_497 : f32 to vector<1024x128xf32>
    %select_n3A_499 = arith.select %gt3A_495, %broadcast_in_dim3A_498, %select_n3A_493 : vector<1024x128xi1>, vector<1024x128xf32>
    %slice3A_500 = vector.extract_strided_slice %dot_general3A_475 {offsets = [0, 512], sizes = [1024, 128], strides = [1, 1]} : vector<1024x1024xf32> to vector<1024x128xf32>
    %gt3A_501 = arith.cmpf ogt, %slice3A_500, %select_n3A_496 : vector<1024x128xf32>
    %select_n3A_502 = arith.select %gt3A_501, %slice3A_500, %select_n3A_496 : vector<1024x128xi1>, vector<1024x128xf32>
    %jit3A_503 = arith.constant 5.200000e+01 : f32
    %broadcast_in_dim3A_504 = vector.broadcast %jit3A_503 : f32 to vector<1024x128xf32>
    %select_n3A_505 = arith.select %gt3A_501, %broadcast_in_dim3A_504, %select_n3A_499 : vector<1024x128xi1>, vector<1024x128xf32>
    %slice3A_506 = vector.extract_strided_slice %dot_general3A_475 {offsets = [0, 640], sizes = [1024, 128], strides = [1, 1]} : vector<1024x1024xf32> to vector<1024x128xf32>
    %gt3A_507 = arith.cmpf ogt, %slice3A_506, %select_n3A_502 : vector<1024x128xf32>
    %select_n3A_508 = arith.select %gt3A_507, %slice3A_506, %select_n3A_502 : vector<1024x128xi1>, vector<1024x128xf32>
    %jit3A_509 = arith.constant 5.300000e+01 : f32
    %broadcast_in_dim3A_510 = vector.broadcast %jit3A_509 : f32 to vector<1024x128xf32>
    %select_n3A_511 = arith.select %gt3A_507, %broadcast_in_dim3A_510, %select_n3A_505 : vector<1024x128xi1>, vector<1024x128xf32>
    %slice3A_512 = vector.extract_strided_slice %dot_general3A_475 {offsets = [0, 768], sizes = [1024, 128], strides = [1, 1]} : vector<1024x1024xf32> to vector<1024x128xf32>
    %gt3A_513 = arith.cmpf ogt, %slice3A_512, %select_n3A_508 : vector<1024x128xf32>
    %select_n3A_514 = arith.select %gt3A_513, %slice3A_512, %select_n3A_508 : vector<1024x128xi1>, vector<1024x128xf32>
    %jit3A_515 = arith.constant 5.400000e+01 : f32
    %broadcast_in_dim3A_516 = vector.broadcast %jit3A_515 : f32 to vector<1024x128xf32>
    %select_n3A_517 = arith.select %gt3A_513, %broadcast_in_dim3A_516, %select_n3A_511 : vector<1024x128xi1>, vector<1024x128xf32>
    %slice3A_518 = vector.extract_strided_slice %dot_general3A_475 {offsets = [0, 896], sizes = [1024, 128], strides = [1, 1]} : vector<1024x1024xf32> to vector<1024x128xf32>
    %gt3A_519 = arith.cmpf ogt, %slice3A_518, %select_n3A_514 : vector<1024x128xf32>
    %select_n3A_520 = arith.select %gt3A_519, %slice3A_518, %select_n3A_514 : vector<1024x128xi1>, vector<1024x128xf32>
    %jit3A_521 = arith.constant 5.500000e+01 : f32
    %broadcast_in_dim3A_522 = vector.broadcast %jit3A_521 : f32 to vector<1024x128xf32>
    %select_n3A_523 = arith.select %gt3A_519, %broadcast_in_dim3A_522, %select_n3A_517 : vector<1024x128xi1>, vector<1024x128xf32>
    %get3A_524 = arith.constant 0 : index
    %get3A_525 = arith.constant 7168 : index
    %get3A_526 = vector.load %arg8[%get3A_524, %get3A_525] : memref<32x8192xf32, #tpu.memory_space<vmem>>, vector<32x1024xf32>
    %mul3A_527 = arith.mulf %get3A_526, %get3A_526 : vector<32x1024xf32>
    %reduce_sum3A_528 = arith.constant dense<0.000000e+00> : vector<1024xf32>
    %reduce_sum3A_529 = vector.multi_reduction <add>, %mul3A_527, %reduce_sum3A_528 [0] : vector<32x1024xf32> to vector<1024xf32>
    %broadcast_in_dim3A_530 = vector.shape_cast %reduce_sum3A_529 : vector<1024xf32> to vector<1x1024xf32>
    %mul3A_531 = arith.constant 5.000000e-01 : f32
    %mul3A_532 = vector.broadcast %mul3A_531 : f32 to vector<1x1024xf32>
    %mul3A_533 = arith.mulf %mul3A_532, %broadcast_in_dim3A_530 : vector<1x1024xf32>
    %broadcast_in_dim3A_534 = arith.constant 0.000000e+00 : f32
    %broadcast_in_dim3A_535 = vector.broadcast %broadcast_in_dim3A_534 : f32 to vector<7x1024xf32>
    %concatenate3A_536 = tpu.concatenate %get3A_526, %mul3A_533, %broadcast_in_dim3A_535 in 0 : vector<32x1024xf32>, vector<1x1024xf32>, vector<7x1024xf32> -> vector<40x1024xf32>
    %dot_general3A_537 = arith.constant dense<0.000000e+00> : vector<1024x1024xf32>
    %dot_general3A_538 = tpu.matmul %concatenate3A, %concatenate3A_536, %dot_general3A_537 {dimension_numbers = #tpu.dot_dimension_numbers<[1], [0], [0], [1], [0, 0, 1, 1], [], []>, transpose_lhs_hint = false} : vector<1024x40xf32>, vector<40x1024xf32>, vector<1024x1024xf32> -> vector<1024x1024xf32>
    %slice3A_539 = vector.extract_strided_slice %dot_general3A_538 {offsets = [0, 0], sizes = [1024, 128], strides = [1, 1]} : vector<1024x1024xf32> to vector<1024x128xf32>
    %gt3A_540 = arith.cmpf ogt, %slice3A_539, %select_n3A_520 : vector<1024x128xf32>
    %select_n3A_541 = arith.select %gt3A_540, %slice3A_539, %select_n3A_520 : vector<1024x128xi1>, vector<1024x128xf32>
    %jit3A_542 = arith.constant 5.600000e+01 : f32
    %broadcast_in_dim3A_543 = vector.broadcast %jit3A_542 : f32 to vector<1024x128xf32>
    %select_n3A_544 = arith.select %gt3A_540, %broadcast_in_dim3A_543, %select_n3A_523 : vector<1024x128xi1>, vector<1024x128xf32>
    %slice3A_545 = vector.extract_strided_slice %dot_general3A_538 {offsets = [0, 128], sizes = [1024, 128], strides = [1, 1]} : vector<1024x1024xf32> to vector<1024x128xf32>
    %gt3A_546 = arith.cmpf ogt, %slice3A_545, %select_n3A_541 : vector<1024x128xf32>
    %select_n3A_547 = arith.select %gt3A_546, %slice3A_545, %select_n3A_541 : vector<1024x128xi1>, vector<1024x128xf32>
    %jit3A_548 = arith.constant 5.700000e+01 : f32
    %broadcast_in_dim3A_549 = vector.broadcast %jit3A_548 : f32 to vector<1024x128xf32>
    %select_n3A_550 = arith.select %gt3A_546, %broadcast_in_dim3A_549, %select_n3A_544 : vector<1024x128xi1>, vector<1024x128xf32>
    %slice3A_551 = vector.extract_strided_slice %dot_general3A_538 {offsets = [0, 256], sizes = [1024, 128], strides = [1, 1]} : vector<1024x1024xf32> to vector<1024x128xf32>
    %gt3A_552 = arith.cmpf ogt, %slice3A_551, %select_n3A_547 : vector<1024x128xf32>
    %select_n3A_553 = arith.select %gt3A_552, %slice3A_551, %select_n3A_547 : vector<1024x128xi1>, vector<1024x128xf32>
    %jit3A_554 = arith.constant 5.800000e+01 : f32
    %broadcast_in_dim3A_555 = vector.broadcast %jit3A_554 : f32 to vector<1024x128xf32>
    %select_n3A_556 = arith.select %gt3A_552, %broadcast_in_dim3A_555, %select_n3A_550 : vector<1024x128xi1>, vector<1024x128xf32>
    %slice3A_557 = vector.extract_strided_slice %dot_general3A_538 {offsets = [0, 384], sizes = [1024, 128], strides = [1, 1]} : vector<1024x1024xf32> to vector<1024x128xf32>
    %gt3A_558 = arith.cmpf ogt, %slice3A_557, %select_n3A_553 : vector<1024x128xf32>
    %select_n3A_559 = arith.select %gt3A_558, %slice3A_557, %select_n3A_553 : vector<1024x128xi1>, vector<1024x128xf32>
    %jit3A_560 = arith.constant 5.900000e+01 : f32
    %broadcast_in_dim3A_561 = vector.broadcast %jit3A_560 : f32 to vector<1024x128xf32>
    %select_n3A_562 = arith.select %gt3A_558, %broadcast_in_dim3A_561, %select_n3A_556 : vector<1024x128xi1>, vector<1024x128xf32>
    %slice3A_563 = vector.extract_strided_slice %dot_general3A_538 {offsets = [0, 512], sizes = [1024, 128], strides = [1, 1]} : vector<1024x1024xf32> to vector<1024x128xf32>
    %gt3A_564 = arith.cmpf ogt, %slice3A_563, %select_n3A_559 : vector<1024x128xf32>
    %select_n3A_565 = arith.select %gt3A_564, %slice3A_563, %select_n3A_559 : vector<1024x128xi1>, vector<1024x128xf32>
    %jit3A_566 = arith.constant 6.000000e+01 : f32
    %broadcast_in_dim3A_567 = vector.broadcast %jit3A_566 : f32 to vector<1024x128xf32>
    %select_n3A_568 = arith.select %gt3A_564, %broadcast_in_dim3A_567, %select_n3A_562 : vector<1024x128xi1>, vector<1024x128xf32>
    %slice3A_569 = vector.extract_strided_slice %dot_general3A_538 {offsets = [0, 640], sizes = [1024, 128], strides = [1, 1]} : vector<1024x1024xf32> to vector<1024x128xf32>
    %gt3A_570 = arith.cmpf ogt, %slice3A_569, %select_n3A_565 : vector<1024x128xf32>
    %select_n3A_571 = arith.select %gt3A_570, %slice3A_569, %select_n3A_565 : vector<1024x128xi1>, vector<1024x128xf32>
    %jit3A_572 = arith.constant 6.100000e+01 : f32
    %broadcast_in_dim3A_573 = vector.broadcast %jit3A_572 : f32 to vector<1024x128xf32>
    %select_n3A_574 = arith.select %gt3A_570, %broadcast_in_dim3A_573, %select_n3A_568 : vector<1024x128xi1>, vector<1024x128xf32>
    %slice3A_575 = vector.extract_strided_slice %dot_general3A_538 {offsets = [0, 768], sizes = [1024, 128], strides = [1, 1]} : vector<1024x1024xf32> to vector<1024x128xf32>
    %gt3A_576 = arith.cmpf ogt, %slice3A_575, %select_n3A_571 : vector<1024x128xf32>
    %select_n3A_577 = arith.select %gt3A_576, %slice3A_575, %select_n3A_571 : vector<1024x128xi1>, vector<1024x128xf32>
    %jit3A_578 = arith.constant 6.200000e+01 : f32
    %broadcast_in_dim3A_579 = vector.broadcast %jit3A_578 : f32 to vector<1024x128xf32>
    %select_n3A_580 = arith.select %gt3A_576, %broadcast_in_dim3A_579, %select_n3A_574 : vector<1024x128xi1>, vector<1024x128xf32>
    %slice3A_581 = vector.extract_strided_slice %dot_general3A_538 {offsets = [0, 896], sizes = [1024, 128], strides = [1, 1]} : vector<1024x1024xf32> to vector<1024x128xf32>
    %gt3A_582 = arith.cmpf ogt, %slice3A_581, %select_n3A_577 : vector<1024x128xf32>
    %select_n3A_583 = arith.select %gt3A_582, %slice3A_581, %select_n3A_577 : vector<1024x128xi1>, vector<1024x128xf32>
    %jit3A_584 = arith.constant 6.300000e+01 : f32
    %broadcast_in_dim3A_585 = vector.broadcast %jit3A_584 : f32 to vector<1024x128xf32>
    %select_n3A_586 = arith.select %gt3A_582, %broadcast_in_dim3A_585, %select_n3A_580 : vector<1024x128xi1>, vector<1024x128xf32>
    %reduce_max3A = arith.constant dense<0xFF800000> : vector<1024xf32>
    %reduce_max3A_587 = vector.multi_reduction <maximumf>, %select_n3A_583, %reduce_max3A [1] : vector<1024x128xf32> to vector<1024xf32>
    %broadcast_in_dim3A_588 = vector.shape_cast %reduce_max3A_587 : vector<1024xf32> to vector<1024x1xf32>
    %iota3A = tpu.iota {dimensions = array<i32: 1>} : vector<1024x128xi32>
    %convert_element_type3A_589 = arith.sitofp %iota3A : vector<1024x128xi32> to vector<1024x128xf32>
    %mul3A_590 = arith.constant 1.280000e+02 : f32
    %mul3A_591 = vector.broadcast %mul3A_590 : f32 to vector<1024x128xf32>
    %mul3A_592 = arith.mulf %select_n3A_586, %mul3A_591 : vector<1024x128xf32>
    %add3A_593 = arith.addf %mul3A_592, %convert_element_type3A_589 : vector<1024x128xf32>
    %ge3A = vector.broadcast %broadcast_in_dim3A_588 : vector<1024x1xf32> to vector<1024x128xf32>
    %ge3A_594 = arith.cmpf oge, %select_n3A_583, %ge3A : vector<1024x128xf32>
    %jit3A_595 = arith.constant 3.000000e+07 : f32
    %broadcast_in_dim3A_596 = vector.broadcast %jit3A_595 : f32 to vector<1024x128xf32>
    %select_n3A_597 = arith.select %ge3A_594, %add3A_593, %broadcast_in_dim3A_596 : vector<1024x128xi1>, vector<1024x128xf32>
    %reduce_min3A = arith.constant dense<0x7F800000> : vector<1024xf32>
    %reduce_min3A_598 = vector.multi_reduction <minimumf>, %select_n3A_597, %reduce_min3A [1] : vector<1024x128xf32> to vector<1024xf32>
    %broadcast_in_dim3A_599 = vector.shape_cast %reduce_min3A_598 : vector<1024xf32> to vector<1024x1xf32>
    %convert_element_type3A_600 = arith.fptosi %broadcast_in_dim3A_599 : vector<1024x1xf32> to vector<1024x1xi32>
    %squeeze3A = vector.shape_cast %convert_element_type3A_600 : vector<1024x1xi32> to vector<1024xi32>
    %swap3A = arith.constant 0 : index
    %swap3A_601 = vector.load %arg9[%swap3A] : memref<1024xi32, #tpu.memory_space<vmem>>, vector<1024xi32>
    tpu.vector_store %arg9[%swap3A], %squeeze3A {strides = array<i32>} : memref<1024xi32, #tpu.memory_space<vmem>>, vector<1024xi32>,
    return
  }
  func.func @transform_1(%arg0: i32) -> (i32, i32, i32) {
    %c0_i32 = arith.constant 0 : i32
    %c0_i32_0 = arith.constant 0 : i32
    %c0_i32_1 = arith.constant 0 : i32
    return %arg0, %c0_i32, %c0_i32_0 : i32, i32, i32
  }
  func.func @transform_2(%arg0: i32) -> (i32, i32, i32) {
    %c0_i32 = arith.constant 0 : i32
    %c0_i32_0 = arith.constant 0 : i32
    %c0_i32_1 = arith.constant 0 : i32
    return %arg0, %c0_i32, %c0_i32_0 : i32, i32, i32
  }
  func.func @transform_3(%arg0: i32) -> (i32, i32, i32) {
    %c0_i32 = arith.constant 0 : i32
    %c0_i32_0 = arith.constant 0 : i32
    %c0_i32_1 = arith.constant 0 : i32
    return %arg0, %c0_i32, %c0_i32_0 : i32, i32, i32
  }
  func.func @transform_4(%arg0: i32) -> (i32, i32, i32) {
    %c0_i32 = arith.constant 0 : i32
    %c0_i32_0 = arith.constant 0 : i32
    %c0_i32_1 = arith.constant 0 : i32
    return %arg0, %c0_i32, %c0_i32_0 : i32, i32, i32
  }
  func.func @transform_5(%arg0: i32) -> (i32, i32, i32) {
    %c0_i32 = arith.constant 0 : i32
    %c0_i32_0 = arith.constant 0 : i32
    %c0_i32_1 = arith.constant 0 : i32
    return %arg0, %c0_i32, %c0_i32_0 : i32, i32, i32
  }
  func.func @transform_6(%arg0: i32) -> (i32, i32, i32) {
    %c0_i32 = arith.constant 0 : i32
    %c0_i32_0 = arith.constant 0 : i32
    %c0_i32_1 = arith.constant 0 : i32
    return %arg0, %c0_i32, %c0_i32_0 : i32, i32, i32
  }
  func.func @transform_7(%arg0: i32) -> (i32, i32) {
    %c0_i32 = arith.constant 0 : i32
    %c0_i32_0 = arith.constant 0 : i32
    %c0_i32_1 = arith.constant 0 : i32
    return %c0_i32, %c0_i32_0 : i32, i32
  }
  func.func @transform_8(%arg0: i32) -> i32 {
    %c0_i32 = arith.constant 0 : i32
    return %arg0 : i32
  }
}

module attributes {stable_mosaic.version = 14 : i64} {
  func.func @_decode_body(%arg0: i32, %arg1: memref<65536x32xf32, #tpu.memory_space<any>>, %arg2: memref<1x32x128xf32, #tpu.memory_space<vmem>>, %arg3: memref<1x1x128xf32, #tpu.memory_space<vmem>>, %arg4: memref<1x128x256xf32, #tpu.memory_space<vmem>>, %arg5: memref<1x1x256xf32, #tpu.memory_space<vmem>>, %arg6: memref<1x256x128xf32, #tpu.memory_space<vmem>>, %arg7: memref<1x1x128xf32, #tpu.memory_space<vmem>>, %arg8: memref<1024x64x128xf32, #tpu.memory_space<any>>, %arg9: memref<2x1024x128xf32, #tpu.memory_space<vmem>>, %arg10: memref<2x!tpu.dma_semaphore, #tpu.memory_space<semaphore_mem>>, %arg11: memref<2x1024x32xf32, #tpu.memory_space<vmem>>, %arg12: memref<2x!tpu.dma_semaphore, #tpu.memory_space<semaphore_mem>>) attributes {dimension_semantics = [#tpu.dimension_semantics<arbitrary>], iteration_bounds = array<i64: 64>, scalar_prefetch = 0 : i64, scratch_operands = 4 : i64, tpu.core_type = #tpu.core_type<tc>, window_params = [{}, {transform_indices = @transform_1, window_bounds = array<i64: 1, 32, 128>}, {transform_indices = @transform_2, window_bounds = array<i64: 1, 1, 128>}, {transform_indices = @transform_3, window_bounds = array<i64: 1, 128, 256>}, {transform_indices = @transform_4, window_bounds = array<i64: 1, 1, 256>}, {transform_indices = @transform_5, window_bounds = array<i64: 1, 256, 128>}, {transform_indices = @transform_6, window_bounds = array<i64: 1, 1, 128>}, {}]} {
    %jit3A = arith.constant 2 : i32
    %eq3A = arith.constant 0 : i32
    %eq3A_0 = arith.cmpi eq, %jit3A, %eq3A : i32
    %jit3A_1 = arith.constant 1 : i32
    %select_n3A = arith.select %eq3A_0, %jit3A_1, %jit3A : i32
    %rem3A = arith.remsi %arg0, %select_n3A : i32
    %ne3A = arith.constant 0 : i32
    %ne3A_2 = arith.cmpi ne, %rem3A, %ne3A : i32
    %lt3A = arith.constant 0 : i32
    %lt3A_3 = arith.cmpi slt, %rem3A, %lt3A : i32
    %lt3A_4 = arith.constant 0 : i32
    %lt3A_5 = arith.cmpi slt, %select_n3A, %lt3A_4 : i32
    %ne3A_6 = arith.xori %lt3A_3, %lt3A_5 : i1
    %and3A = arith.andi %ne3A_6, %ne3A_2 : i1
    %add3A = arith.addi %rem3A, %select_n3A : i32
    %select_n3A_7 = arith.select %and3A, %add3A, %rem3A : i32
    %eq3A_8 = arith.constant 0 : i32
    %eq3A_9 = arith.cmpi eq, %arg0, %eq3A_8 : i32
    %convert_element_type3A = arith.extui %eq3A_9 : i1 to i32
    %cond3A = arith.constant 0 : i32
    %cond3A_10 = arith.cmpi ne, %convert_element_type3A, %cond3A : i32
    scf.if %cond3A_10 {
      %dma_start3A_106 = arith.constant 0 : i32
      %dma_start3A_107 = arith.constant 0 : i32
      %dma_start3A_108 = tpu.memref_slice %arg12[%dma_start3A_107] : memref<2x!tpu.dma_semaphore, #tpu.memory_space<semaphore_mem>> -> memref<1x!tpu.dma_semaphore, #tpu.memory_space<semaphore_mem>>
      %dma_start3A_109 = tpu.memref_squeeze %dma_start3A_108 : memref<1x!tpu.dma_semaphore, #tpu.memory_space<semaphore_mem>> -> memref<!tpu.dma_semaphore, #tpu.memory_space<semaphore_mem>>
      %dma_start3A_110 = arith.constant 0 : i32
      %dma_start3A_111 = arith.constant 0 : i32
      %dma_start3A_112 = tpu.memref_slice %arg11[%dma_start3A_106, %dma_start3A_110, %dma_start3A_111] : memref<2x1024x32xf32, #tpu.memory_space<vmem>> -> memref<1x1024x32xf32, #tpu.memory_space<vmem>>
      %dma_start3A_113 = tpu.memref_squeeze %dma_start3A_112 : memref<1x1024x32xf32, #tpu.memory_space<vmem>> -> memref<1024x32xf32, #tpu.memory_space<vmem>>
      %dma_start3A_114 = arith.constant 0 : i32
      %dma_start3A_115 = arith.constant 0 : i32
      %dma_start3A_116 = tpu.memref_slice %arg1[%dma_start3A_114, %dma_start3A_115] : memref<65536x32xf32, #tpu.memory_space<any>> -> memref<1024x32xf32, #tpu.memory_space<any>>
      tpu.enqueue_dma source(%dma_start3A_116 : memref<1024x32xf32, #tpu.memory_space<any>>) target(%dma_start3A_113 : memref<1024x32xf32, #tpu.memory_space<vmem>>) target_semaphore(%dma_start3A_109 : memref<!tpu.dma_semaphore, #tpu.memory_space<semaphore_mem>>)
    } else {
    }
    %add3A_11 = arith.constant 1 : i32
    %add3A_12 = arith.addi %arg0, %add3A_11 : i32
    %lt3A_13 = arith.constant 64 : i32
    %lt3A_14 = arith.cmpi slt, %add3A_12, %lt3A_13 : i32
    %convert_element_type3A_15 = arith.extui %lt3A_14 : i1 to i32
    %cond3A_16 = arith.constant 0 : i32
    %cond3A_17 = arith.cmpi ne, %convert_element_type3A_15, %cond3A_16 : i32
    scf.if %cond3A_17 {
      %add3A_106 = arith.constant 1 : i32
      %add3A_107 = arith.addi %arg0, %add3A_106 : i32
      %mul3A_108 = arith.constant 1024 : i32
      %mul3A_109 = arith.muli %add3A_107, %mul3A_108 : i32
      %sub3A = arith.constant 1 : i32
      %sub3A_110 = arith.subi %sub3A, %select_n3A_7 : i32
      %sub3A_111 = arith.constant 1 : i32
      %sub3A_112 = arith.subi %sub3A_111, %select_n3A_7 : i32
      %dma_start3A_113 = tpu.memref_slice %arg12[%sub3A_112] : memref<2x!tpu.dma_semaphore, #tpu.memory_space<semaphore_mem>> -> memref<1x!tpu.dma_semaphore, #tpu.memory_space<semaphore_mem>>
      %dma_start3A_114 = tpu.memref_squeeze %dma_start3A_113 : memref<1x!tpu.dma_semaphore, #tpu.memory_space<semaphore_mem>> -> memref<!tpu.dma_semaphore, #tpu.memory_space<semaphore_mem>>
      %dma_start3A_115 = arith.constant 0 : i32
      %dma_start3A_116 = arith.constant 0 : i32
      %dma_start3A_117 = tpu.memref_slice %arg11[%sub3A_110, %dma_start3A_115, %dma_start3A_116] : memref<2x1024x32xf32, #tpu.memory_space<vmem>> -> memref<1x1024x32xf32, #tpu.memory_space<vmem>>
      %dma_start3A_118 = tpu.memref_squeeze %dma_start3A_117 : memref<1x1024x32xf32, #tpu.memory_space<vmem>> -> memref<1024x32xf32, #tpu.memory_space<vmem>>
      %dma_start3A_119 = arith.constant 0 : i32
      %dma_start3A_120 = tpu.memref_slice %arg1[%mul3A_109, %dma_start3A_119] : memref<65536x32xf32, #tpu.memory_space<any>> -> memref<1024x32xf32, #tpu.memory_space<any>>
      tpu.enqueue_dma source(%dma_start3A_120 : memref<1024x32xf32, #tpu.memory_space<any>>) target(%dma_start3A_118 : memref<1024x32xf32, #tpu.memory_space<vmem>>) target_semaphore(%dma_start3A_114 : memref<!tpu.dma_semaphore, #tpu.memory_space<semaphore_mem>>)
    } else {
    }
    %ge3A = arith.constant 2 : i32
    %ge3A_18 = arith.cmpi sge, %arg0, %ge3A : i32
    %convert_element_type3A_19 = arith.extui %ge3A_18 : i1 to i32
    %cond3A_20 = arith.constant 0 : i32
    %cond3A_21 = arith.cmpi ne, %convert_element_type3A_19, %cond3A_20 : i32
    scf.if %cond3A_21 {
      %sub3A = arith.constant 2 : i32
      %sub3A_106 = arith.subi %arg0, %sub3A : i32
      %dma_wait3A_107 = tpu.memref_slice %arg10[%select_n3A_7] : memref<2x!tpu.dma_semaphore, #tpu.memory_space<semaphore_mem>> -> memref<1x!tpu.dma_semaphore, #tpu.memory_space<semaphore_mem>>
      %dma_wait3A_108 = tpu.memref_squeeze %dma_wait3A_107 : memref<1x!tpu.dma_semaphore, #tpu.memory_space<semaphore_mem>> -> memref<!tpu.dma_semaphore, #tpu.memory_space<semaphore_mem>>
      %dma_wait3A_109 = arith.constant 0 : i32
      %dma_wait3A_110 = arith.constant 0 : i32
      %dma_wait3A_111 = tpu.memref_slice %arg8[%dma_wait3A_109, %sub3A_106, %dma_wait3A_110] : memref<1024x64x128xf32, #tpu.memory_space<any>> -> memref<1024x1x128xf32, #tpu.memory_space<any>>
      %dma_wait3A_112 = tpu.memref_squeeze %dma_wait3A_111 : memref<1024x1x128xf32, #tpu.memory_space<any>> -> memref<1024x128xf32, #tpu.memory_space<any>>
      %dma_wait3A_113 = arith.constant 0 : i32
      %dma_wait3A_114 = arith.constant 0 : i32
      %dma_wait3A_115 = tpu.memref_slice %arg9[%select_n3A_7, %dma_wait3A_113, %dma_wait3A_114] : memref<2x1024x128xf32, #tpu.memory_space<vmem>> -> memref<1x1024x128xf32, #tpu.memory_space<vmem>>
      %dma_wait3A_116 = tpu.memref_squeeze %dma_wait3A_115 : memref<1x1024x128xf32, #tpu.memory_space<vmem>> -> memref<1024x128xf32, #tpu.memory_space<vmem>>
      tpu.wait_dma2 semaphore(%dma_wait3A_108 : memref<!tpu.dma_semaphore, #tpu.memory_space<semaphore_mem>>) src(%dma_wait3A_116 : memref<1024x128xf32, #tpu.memory_space<vmem>>) dst(%dma_wait3A_112 : memref<1024x128xf32, #tpu.memory_space<any>>)
    } else {
    }
    %mul3A = arith.constant 1024 : i32
    %mul3A_22 = arith.muli %arg0, %mul3A : i32
    %dma_wait3A = tpu.memref_slice %arg12[%select_n3A_7] : memref<2x!tpu.dma_semaphore, #tpu.memory_space<semaphore_mem>> -> memref<1x!tpu.dma_semaphore, #tpu.memory_space<semaphore_mem>>
    %dma_wait3A_23 = tpu.memref_squeeze %dma_wait3A : memref<1x!tpu.dma_semaphore, #tpu.memory_space<semaphore_mem>> -> memref<!tpu.dma_semaphore, #tpu.memory_space<semaphore_mem>>
    %dma_wait3A_24 = arith.constant 0 : i32
    %dma_wait3A_25 = arith.constant 0 : i32
    %dma_wait3A_26 = tpu.memref_slice %arg11[%select_n3A_7, %dma_wait3A_24, %dma_wait3A_25] : memref<2x1024x32xf32, #tpu.memory_space<vmem>> -> memref<1x1024x32xf32, #tpu.memory_space<vmem>>
    %dma_wait3A_27 = tpu.memref_squeeze %dma_wait3A_26 : memref<1x1024x32xf32, #tpu.memory_space<vmem>> -> memref<1024x32xf32, #tpu.memory_space<vmem>>
    %dma_wait3A_28 = arith.constant 0 : i32
    %dma_wait3A_29 = tpu.memref_slice %arg1[%mul3A_22, %dma_wait3A_28] : memref<65536x32xf32, #tpu.memory_space<any>> -> memref<1024x32xf32, #tpu.memory_space<any>>
    tpu.wait_dma2 semaphore(%dma_wait3A_23 : memref<!tpu.dma_semaphore, #tpu.memory_space<semaphore_mem>>) src(%dma_wait3A_29 : memref<1024x32xf32, #tpu.memory_space<any>>) dst(%dma_wait3A_27 : memref<1024x32xf32, #tpu.memory_space<vmem>>)
    %get3A = arith.index_cast %select_n3A_7 : i32 to index
    %get3A_30 = arith.constant 0 : index
    %get3A_31 = arith.constant 0 : index
    %get3A_32 = vector.load %arg11[%get3A, %get3A_30, %get3A_31] : memref<2x1024x32xf32, #tpu.memory_space<vmem>>, vector<1x1024x32xf32>
    %get3A_33 = vector.shape_cast %get3A_32 : vector<1x1024x32xf32> to vector<1024x32xf32>
    %get3A_34 = arith.constant 0 : index
    %get3A_35 = arith.constant 0 : index
    %get3A_36 = arith.constant 0 : index
    %get3A_37 = vector.load %arg2[%get3A_34, %get3A_35, %get3A_36] : memref<1x32x128xf32, #tpu.memory_space<vmem>>, vector<1x32x128xf32>
    %get3A_38 = vector.shape_cast %get3A_37 : vector<1x32x128xf32> to vector<32x128xf32>
    %dot_general3A = arith.constant dense<0.000000e+00> : vector<1024x128xf32>
    %dot_general3A_39 = tpu.matmul %get3A_33, %get3A_38, %dot_general3A {dimension_numbers = #tpu.dot_dimension_numbers<[1], [0], [0], [1], [0, 0, 1, 1], [], []>, transpose_lhs_hint = false} : vector<1024x32xf32>, vector<32x128xf32>, vector<1024x128xf32> -> vector<1024x128xf32>
    %get3A_40 = arith.constant 0 : index
    %get3A_41 = arith.constant 0 : index
    %get3A_42 = arith.constant 0 : index
    %get3A_43 = vector.load %arg3[%get3A_40, %get3A_41, %get3A_42] : memref<1x1x128xf32, #tpu.memory_space<vmem>>, vector<1x1x128xf32>
    %get3A_44 = vector.shape_cast %get3A_43 : vector<1x1x128xf32> to vector<1x128xf32>
    %add3A_45 = vector.broadcast %get3A_44 : vector<1x128xf32> to vector<1024x128xf32>
    %add3A_46 = arith.addf %dot_general3A_39, %add3A_45 : vector<1024x128xf32>
    %max3A = arith.constant 0.000000e+00 : f32
    %max3A_47 = vector.broadcast %max3A : f32 to vector<1024x128xf32>
    %max3A_48 = arith.maximumf %add3A_46, %max3A_47 : vector<1024x128xf32>
    %get3A_49 = arith.constant 0 : index
    %get3A_50 = arith.constant 0 : index
    %get3A_51 = arith.constant 0 : index
    %get3A_52 = vector.load %arg4[%get3A_49, %get3A_50, %get3A_51] : memref<1x128x256xf32, #tpu.memory_space<vmem>>, vector<1x128x256xf32>
    %get3A_53 = vector.shape_cast %get3A_52 : vector<1x128x256xf32> to vector<128x256xf32>
    %dot_general3A_54 = arith.constant dense<0.000000e+00> : vector<1024x256xf32>
    %dot_general3A_55 = tpu.matmul %max3A_48, %get3A_53, %dot_general3A_54 {dimension_numbers = #tpu.dot_dimension_numbers<[1], [0], [0], [1], [0, 0, 1, 1], [], []>, transpose_lhs_hint = false} : vector<1024x128xf32>, vector<128x256xf32>, vector<1024x256xf32> -> vector<1024x256xf32>
    %get3A_56 = arith.constant 0 : index
    %get3A_57 = arith.constant 0 : index
    %get3A_58 = arith.constant 0 : index
    %get3A_59 = vector.load %arg5[%get3A_56, %get3A_57, %get3A_58] : memref<1x1x256xf32, #tpu.memory_space<vmem>>, vector<1x1x256xf32>
    %get3A_60 = vector.shape_cast %get3A_59 : vector<1x1x256xf32> to vector<1x256xf32>
    %add3A_61 = vector.broadcast %get3A_60 : vector<1x256xf32> to vector<1024x256xf32>
    %add3A_62 = arith.addf %dot_general3A_55, %add3A_61 : vector<1024x256xf32>
    %max3A_63 = arith.constant 0.000000e+00 : f32
    %max3A_64 = vector.broadcast %max3A_63 : f32 to vector<1024x256xf32>
    %max3A_65 = arith.maximumf %add3A_62, %max3A_64 : vector<1024x256xf32>
    %get3A_66 = arith.constant 0 : index
    %get3A_67 = arith.constant 0 : index
    %get3A_68 = arith.constant 0 : index
    %get3A_69 = vector.load %arg6[%get3A_66, %get3A_67, %get3A_68] : memref<1x256x128xf32, #tpu.memory_space<vmem>>, vector<1x256x128xf32>
    %get3A_70 = vector.shape_cast %get3A_69 : vector<1x256x128xf32> to vector<256x128xf32>
    %dot_general3A_71 = arith.constant dense<0.000000e+00> : vector<1024x128xf32>
    %dot_general3A_72 = tpu.matmul %max3A_65, %get3A_70, %dot_general3A_71 {dimension_numbers = #tpu.dot_dimension_numbers<[1], [0], [0], [1], [0, 0, 1, 1], [], []>, transpose_lhs_hint = false} : vector<1024x256xf32>, vector<256x128xf32>, vector<1024x128xf32> -> vector<1024x128xf32>
    %get3A_73 = arith.constant 0 : index
    %get3A_74 = arith.constant 0 : index
    %get3A_75 = arith.constant 0 : index
    %get3A_76 = vector.load %arg7[%get3A_73, %get3A_74, %get3A_75] : memref<1x1x128xf32, #tpu.memory_space<vmem>>, vector<1x1x128xf32>
    %get3A_77 = vector.shape_cast %get3A_76 : vector<1x1x128xf32> to vector<1x128xf32>
    %add3A_78 = vector.broadcast %get3A_77 : vector<1x128xf32> to vector<1024x128xf32>
    %add3A_79 = arith.addf %dot_general3A_72, %add3A_78 : vector<1024x128xf32>
    %neg3A = arith.constant 0.000000e+00 : f32
    %neg3A_80 = vector.broadcast %neg3A : f32 to vector<1024x128xf32>
    %neg3A_81 = arith.subf %neg3A_80, %add3A_79 : vector<1024x128xf32>
    %exp3A = math.exp %neg3A_81 : vector<1024x128xf32>
    %add3A_82 = arith.constant 1.000000e+00 : f32
    %add3A_83 = vector.broadcast %add3A_82 : f32 to vector<1024x128xf32>
    %add3A_84 = arith.addf %add3A_83, %exp3A : vector<1024x128xf32>
    %div3A = arith.constant 1.000000e+00 : f32
    %div3A_85 = vector.broadcast %div3A : f32 to vector<1024x128xf32>
    %div3A_86 = arith.divf %div3A_85, %add3A_84 : vector<1024x128xf32>
    %swap3A = arith.index_cast %select_n3A_7 : i32 to index
    %swap3A_87 = arith.constant 0 : index
    %swap3A_88 = arith.constant 0 : index
    %swap3A_89 = vector.load %arg9[%swap3A, %swap3A_87, %swap3A_88] : memref<2x1024x128xf32, #tpu.memory_space<vmem>>, vector<1x1024x128xf32>
    %swap3A_90 = vector.shape_cast %swap3A_89 : vector<1x1024x128xf32> to vector<1024x128xf32>
    %swap3A_91 = vector.shape_cast %div3A_86 : vector<1024x128xf32> to vector<1x1024x128xf32>
    tpu.vector_store %arg9[%swap3A, %swap3A_87, %swap3A_88], %swap3A_91 {strides = array<i32>} : memref<2x1024x128xf32, #tpu.memory_space<vmem>>, vector<1x1024x128xf32>,
    %dma_start3A = tpu.memref_slice %arg10[%select_n3A_7] : memref<2x!tpu.dma_semaphore, #tpu.memory_space<semaphore_mem>> -> memref<1x!tpu.dma_semaphore, #tpu.memory_space<semaphore_mem>>
    %dma_start3A_92 = tpu.memref_squeeze %dma_start3A : memref<1x!tpu.dma_semaphore, #tpu.memory_space<semaphore_mem>> -> memref<!tpu.dma_semaphore, #tpu.memory_space<semaphore_mem>>
    %dma_start3A_93 = arith.constant 0 : i32
    %dma_start3A_94 = arith.constant 0 : i32
    %dma_start3A_95 = tpu.memref_slice %arg8[%dma_start3A_93, %arg0, %dma_start3A_94] : memref<1024x64x128xf32, #tpu.memory_space<any>> -> memref<1024x1x128xf32, #tpu.memory_space<any>>
    %dma_start3A_96 = tpu.memref_squeeze %dma_start3A_95 : memref<1024x1x128xf32, #tpu.memory_space<any>> -> memref<1024x128xf32, #tpu.memory_space<any>>
    %dma_start3A_97 = arith.constant 0 : i32
    %dma_start3A_98 = arith.constant 0 : i32
    %dma_start3A_99 = tpu.memref_slice %arg9[%select_n3A_7, %dma_start3A_97, %dma_start3A_98] : memref<2x1024x128xf32, #tpu.memory_space<vmem>> -> memref<1x1024x128xf32, #tpu.memory_space<vmem>>
    %dma_start3A_100 = tpu.memref_squeeze %dma_start3A_99 : memref<1x1024x128xf32, #tpu.memory_space<vmem>> -> memref<1024x128xf32, #tpu.memory_space<vmem>>
    tpu.enqueue_dma source(%dma_start3A_100 : memref<1024x128xf32, #tpu.memory_space<vmem>>) target(%dma_start3A_96 : memref<1024x128xf32, #tpu.memory_space<any>>) target_semaphore(%dma_start3A_92 : memref<!tpu.dma_semaphore, #tpu.memory_space<semaphore_mem>>)
    %eq3A_101 = arith.constant 63 : i32
    %eq3A_102 = arith.cmpi eq, %arg0, %eq3A_101 : i32
    %convert_element_type3A_103 = arith.extui %eq3A_102 : i1 to i32
    %cond3A_104 = arith.constant 0 : i32
    %cond3A_105 = arith.cmpi ne, %convert_element_type3A_103, %cond3A_104 : i32
    scf.if %cond3A_105 {
      %sub3A = arith.constant 1 : i32
      %sub3A_106 = arith.subi %sub3A, %select_n3A_7 : i32
      %sub3A_107 = arith.constant 1 : i32
      %sub3A_108 = arith.subi %arg0, %sub3A_107 : i32
      %sub3A_109 = arith.constant 1 : i32
      %sub3A_110 = arith.subi %sub3A_109, %select_n3A_7 : i32
      %dma_wait3A_111 = tpu.memref_slice %arg10[%sub3A_110] : memref<2x!tpu.dma_semaphore, #tpu.memory_space<semaphore_mem>> -> memref<1x!tpu.dma_semaphore, #tpu.memory_space<semaphore_mem>>
      %dma_wait3A_112 = tpu.memref_squeeze %dma_wait3A_111 : memref<1x!tpu.dma_semaphore, #tpu.memory_space<semaphore_mem>> -> memref<!tpu.dma_semaphore, #tpu.memory_space<semaphore_mem>>
      %dma_wait3A_113 = arith.constant 0 : i32
      %dma_wait3A_114 = arith.constant 0 : i32
      %dma_wait3A_115 = tpu.memref_slice %arg8[%dma_wait3A_113, %sub3A_108, %dma_wait3A_114] : memref<1024x64x128xf32, #tpu.memory_space<any>> -> memref<1024x1x128xf32, #tpu.memory_space<any>>
      %dma_wait3A_116 = tpu.memref_squeeze %dma_wait3A_115 : memref<1024x1x128xf32, #tpu.memory_space<any>> -> memref<1024x128xf32, #tpu.memory_space<any>>
      %dma_wait3A_117 = arith.constant 0 : i32
      %dma_wait3A_118 = arith.constant 0 : i32
      %dma_wait3A_119 = tpu.memref_slice %arg9[%sub3A_106, %dma_wait3A_117, %dma_wait3A_118] : memref<2x1024x128xf32, #tpu.memory_space<vmem>> -> memref<1x1024x128xf32, #tpu.memory_space<vmem>>
      %dma_wait3A_120 = tpu.memref_squeeze %dma_wait3A_119 : memref<1x1024x128xf32, #tpu.memory_space<vmem>> -> memref<1024x128xf32, #tpu.memory_space<vmem>>
      tpu.wait_dma2 semaphore(%dma_wait3A_112 : memref<!tpu.dma_semaphore, #tpu.memory_space<semaphore_mem>>) src(%dma_wait3A_120 : memref<1024x128xf32, #tpu.memory_space<vmem>>) dst(%dma_wait3A_116 : memref<1024x128xf32, #tpu.memory_space<any>>)
      %dma_wait3A_121 = tpu.memref_slice %arg10[%select_n3A_7] : memref<2x!tpu.dma_semaphore, #tpu.memory_space<semaphore_mem>> -> memref<1x!tpu.dma_semaphore, #tpu.memory_space<semaphore_mem>>
      %dma_wait3A_122 = tpu.memref_squeeze %dma_wait3A_121 : memref<1x!tpu.dma_semaphore, #tpu.memory_space<semaphore_mem>> -> memref<!tpu.dma_semaphore, #tpu.memory_space<semaphore_mem>>
      %dma_wait3A_123 = arith.constant 0 : i32
      %dma_wait3A_124 = arith.constant 0 : i32
      %dma_wait3A_125 = tpu.memref_slice %arg8[%dma_wait3A_123, %arg0, %dma_wait3A_124] : memref<1024x64x128xf32, #tpu.memory_space<any>> -> memref<1024x1x128xf32, #tpu.memory_space<any>>
      %dma_wait3A_126 = tpu.memref_squeeze %dma_wait3A_125 : memref<1024x1x128xf32, #tpu.memory_space<any>> -> memref<1024x128xf32, #tpu.memory_space<any>>
      %dma_wait3A_127 = arith.constant 0 : i32
      %dma_wait3A_128 = arith.constant 0 : i32
      %dma_wait3A_129 = tpu.memref_slice %arg9[%select_n3A_7, %dma_wait3A_127, %dma_wait3A_128] : memref<2x1024x128xf32, #tpu.memory_space<vmem>> -> memref<1x1024x128xf32, #tpu.memory_space<vmem>>
      %dma_wait3A_130 = tpu.memref_squeeze %dma_wait3A_129 : memref<1x1024x128xf32, #tpu.memory_space<vmem>> -> memref<1024x128xf32, #tpu.memory_space<vmem>>
      tpu.wait_dma2 semaphore(%dma_wait3A_122 : memref<!tpu.dma_semaphore, #tpu.memory_space<semaphore_mem>>) src(%dma_wait3A_130 : memref<1024x128xf32, #tpu.memory_space<vmem>>) dst(%dma_wait3A_126 : memref<1024x128xf32, #tpu.memory_space<any>>)
    } else {
    }
    return
  }
  func.func @transform_1(%arg0: i32) -> (i32, i32, i32) {
    %c0_i32 = arith.constant 0 : i32
    %c0_i32_0 = arith.constant 0 : i32
    %c0_i32_1 = arith.constant 0 : i32
    return %arg0, %c0_i32, %c0_i32_0 : i32, i32, i32
  }
  func.func @transform_2(%arg0: i32) -> (i32, i32, i32) {
    %c0_i32 = arith.constant 0 : i32
    %c0_i32_0 = arith.constant 0 : i32
    %c0_i32_1 = arith.constant 0 : i32
    return %arg0, %c0_i32, %c0_i32_0 : i32, i32, i32
  }
  func.func @transform_3(%arg0: i32) -> (i32, i32, i32) {
    %c0_i32 = arith.constant 0 : i32
    %c0_i32_0 = arith.constant 0 : i32
    %c0_i32_1 = arith.constant 0 : i32
    return %arg0, %c0_i32, %c0_i32_0 : i32, i32, i32
  }
  func.func @transform_4(%arg0: i32) -> (i32, i32, i32) {
    %c0_i32 = arith.constant 0 : i32
    %c0_i32_0 = arith.constant 0 : i32
    %c0_i32_1 = arith.constant 0 : i32
    return %arg0, %c0_i32, %c0_i32_0 : i32, i32, i32
  }
  func.func @transform_5(%arg0: i32) -> (i32, i32, i32) {
    %c0_i32 = arith.constant 0 : i32
    %c0_i32_0 = arith.constant 0 : i32
    %c0_i32_1 = arith.constant 0 : i32
    return %arg0, %c0_i32, %c0_i32_0 : i32, i32, i32
  }
  func.func @transform_6(%arg0: i32) -> (i32, i32, i32) {
    %c0_i32 = arith.constant 0 : i32
    %c0_i32_0 = arith.constant 0 : i32
    %c0_i32_1 = arith.constant 0 : i32
    return %arg0, %c0_i32, %c0_i32_0 : i32, i32, i32
  }
}

</mosaic_0001>

<sc_bundles>
// kernel: kernel.5.cloned.1.call-start
scs
__scs_entry_jumppad:
0x0: {  	(pc) =	sbr.rel $0x88, $3  }
0x1: {  	(tag) =	ssettag $0x0;
	lr =	simm.s32 $0x1  }
0x2: {  	[smem:$0x3F93] =	sst lr;
	_ =	strace $0xD0000000  }
0x3: {  	_ = 	snop  }
0x4: {  	_ = 	snop  }
0x5: {  	_ = 	snop  }
0x6: {  	_ = 	snop  }
0x7: {  	_ = 	snop  }
__scs_overlays_trampoline_lowered:
0x8: {  	[smem:$0x3FA2] =	sst s0  }
0x9: {  	[smem:$0x3FA3] =	sst s1  }
0xa: {  	[smem:$0x3FA4] =	sst s2  }
0xb: {  	[smem:$0x3FA5] =	sst s3  }
0xc: {  	[smem:$0x3FA6] =	sst s4  }
0xd: {  	[smem:$0x3FA7] =	sst s5  }
0xe: {  	[smem:$0x3FA8] =	sst s6  }
0xf: {  	[smem:$0x3FA9] =	sst s7  }
0x10: {  	[smem:$0x3FAA] =	sst s8  }
0x11: {  	[smem:$0x3FAB] =	sst s9;
	s0 =	simm.s32 @!p0 $0x0  }
0x12: {  	s1 =	sld [smem:$0x3F91];
	s0 =	simm.s32 @p0 $0x1  }
0x13: {  	[smem:$0x3FAC] =	sst s0;
	s0 =	simm.s32 @!p1 $0x0  }
0x14: {  	s2 =	sld [smem:$0x3F90];
	s0 =	simm.s32 @p1 $0x1  }
0x15: {  	[smem:$0x3FAD] =	sst s0;
	s0 =	simm.s32 @!p2 $0x0  }
0x16: {  	s3 =	sld [smem:$0x3FDB];
	s0 =	simm.s32 @p2 $0x1  }
0x17: {  	s4 =	simm.s32 $0x1BF5;
	[smem:$0x3FAF] =	sst s0  }
0x18: {  	s0 =	sld [smem:$0x3F92];
	_ =	swait.ge [sflag:s4], $0x0  }
0x19: {  	s7 =	sld [smem:$0x3F93]  }
0x1a: {  	s8 =	sadd.s32 $0xFFFFE003, lr  }
0x1b: {  	s9 =	sadd.s32 $0xFFFFFEF7, lr;
	s5 =	simm.s32 $0xFFFFFFFF;
	p2 =	slt.u32 s8, $0xFFFFF086  }
0x1c: {  	p1 =	slt.u32 s9, $0xF7A;
	s5 =	simm.s32 @!p2 $0x0  }
0x1d: {  	s5 =	simm.s32 @p1 $0x1;
	p0 =	seq.s32 s7, s2  }
0x1e: {  	s7 =	smul.u32 @!p0 $0xF7A, s2;
	p2 =	seq.s32 @!p0 s5, $0x0  }
0x1f: {  	s9 =	smul.u32 $0xF7A, s1;
	s8 =	simm.s32 @!p0 $0x1BF5;
	p2 =	por !p2, p0  }
0x20: {  	[sflag:s8] =	ssyncset.s32 @!p0 $0xFFFFF086;
	s6 =	sadd.s32 @!p0 s3, s7;
	s7 =	simm.s32 @!p0 $0x108  }
0x21: {  	s3 =	sadd.s32 s3, s9;
	s6 =	sadd.s32 @!p0 $0x88, s6;
	s7 =	simm.s32 @p2 $0x1082  }
0x22: {  	[simem:s7], [sflag:s8] =	dma.local @!p0 [hbm:s6], $0xF7A  }
0x23: {  	s9 =	sor.u32 $0xD0000000, s2;
	s6 =	simm.s32 $0x108;
	_ =	swait.ge @!p0 [sflag:s8], $0x0  }
0x24: {  	s3 =	sadd.s32 $0x88, s3;
	s6 =	simm.s32 @!p1 $0x1082;
	[sflag:s4] =	ssyncset.s32 $0xFFFFF086  }
0x25: {  	[simem:s6], [sflag:s4] =	dma.local [hbm:s3], $0xF7A  }
0x26: {  	[smem:$0x3F93] =	sst s1;
	(tag) =	ssettag s2;
	_ =	strace s9  }
0x27: {  	s1 =	sld [smem:$0x3FA3]  }
0x28: {  	s2 =	sld [smem:$0x3FA4]  }
0x29: {  	s4 =	sld [smem:$0x3FA6]  }
0x2a: {  	p0 =	seq.s32 s5, $0x0;
	s5 =	sld [smem:$0x3FA7]  }
0x2b: {  	s6 =	sld [smem:$0x3FA8]  }
0x2c: {  	s7 =	sld [smem:$0x3FA9]  }
0x2d: {  	s3 =	simm.s32 $0x108;
	s8 =	sld [smem:$0x3FAA]  }
0x2e: {  	s3 =	simm.s32 @!p0 $0x1082;
	s9 =	sld [smem:$0x3FAB]  }
0x2f: {  	lr =	sadd.s32 s0, s3;
	s0 =	sld [smem:$0x3FA2]  }
0x30: {  	s3 =	sld [smem:$0x3FA5]  }
0x31: {  	[smem:$0x3FAE] =	sst s10  }
0x32: {  	s10 =	sld [smem:$0x3FAC];
	_ =	sdelay $0x3  }
0x33: {  	p0 =	seq.s32 s10, $0x1;
	s10 =	sld [smem:$0x3FAE];
	_ =	sdelay $0x3  }
0x34: {  	[smem:$0x3FAE] =	sst s10  }
0x35: {  	s10 =	sld [smem:$0x3FAD];
	_ =	sdelay $0x3  }
0x36: {  	p1 =	seq.s32 s10, $0x1;
	s10 =	sld [smem:$0x3FAE];
	_ =	sdelay $0x3  }
0x37: {  	[smem:$0x3FAE] =	sst s10  }
0x38: {  	s10 =	sld [smem:$0x3FAF]  }
0x39: {  	_ = 	snop;
	(pc) =	sbr.ind lr, $3  }
0x3a: {  	_ = 	snop  }
0x3b: {  	_ = 	snop  }
0x3c: {  	p2 =	seq.s32 s10, $0x1;
	s10 =	sld [smem:$0x3FAE]  }
0x3d: {  	_ =	shalt  }
0x3e: {  	_ =	shalt  }
0x3f: {  	_ =	shalt  }
0x40: {  	_ =	shalt  }
0x41: {  	_ =	shalt  }
0x42: {  	_ =	shalt  }
0x43: {  	_ =	shalt  }
0x44: {  	_ =	shalt  }
0x45: {  	_ =	shalt  }
0x46: {  	_ =	shalt  }
0x47: {  	_ =	shalt  }
0x48: {  	_ =	shalt  }
0x49: {  	_ =	shalt  }
0x4a: {  	_ =	shalt  }
0x4b: {  	_ =	shalt  }
0x4c: {  	_ =	shalt  }
0x4d: {  	_ =	shalt  }
0x4e: {  	_ =	shalt  }
0x4f: {  	_ =	shalt  }
0x50: {  	_ =	shalt  }
0x51: {  	_ =	shalt  }
0x52: {  	_ =	shalt  }
0x53: {  	_ =	shalt  }
0x54: {  	_ =	shalt  }
0x55: {  	_ =	shalt  }
0x56: {  	_ =	shalt  }
0x57: {  	_ =	shalt  }
0x58: {  	_ =	shalt  }
0x59: {  	_ =	shalt  }
0x5a: {  	_ =	shalt  }
0x5b: {  	_ =	shalt  }
0x5c: {  	_ =	shalt  }
0x5d: {  	_ =	shalt  }
0x5e: {  	_ =	shalt  }
0x5f: {  	_ =	shalt  }
0x60: {  	_ =	shalt  }
0x61: {  	_ =	shalt  }
0x62: {  	_ =	shalt  }
0x63: {  	_ =	shalt  }
0x64: {  	_ =	shalt  }
0x65: {  	_ =	shalt  }
0x66: {  	_ =	shalt  }
0x67: {  	_ =	shalt  }
0x68: {  	_ =	shalt  }
0x69: {  	_ =	shalt  }
0x6a: {  	_ =	shalt  }
0x6b: {  	_ =	shalt  }
0x6c: {  	_ =	shalt  }
0x6d: {  	_ =	shalt  }
0x6e: {  	_ =	shalt  }
0x6f: {  	_ =	shalt  }
0x70: {  	_ =	shalt  }
0x71: {  	_ =	shalt  }
0x72: {  	_ =	shalt  }
0x73: {  	_ =	shalt  }
0x74: {  	_ =	shalt  }
0x75: {  	_ =	shalt  }
0x76: {  	_ =	shalt  }
0x77: {  	_ =	shalt  }
0x78: {  	_ =	shalt  }
0x79: {  	_ =	shalt  }
0x7a: {  	_ =	shalt  }
0x7b: {  	_ =	shalt  }
0x7c: {  	_ =	shalt  }
0x7d: {  	_ =	shalt  }
0x7e: {  	_ =	shalt  }
0x7f: {  	_ =	shalt  }
0x80: {  	_ =	shalt  }
0x81: {  	_ =	shalt  }
0x82: {  	_ =	shalt  }
0x83: {  	_ =	shalt  }
0x84: {  	_ =	shalt  }
0x85: {  	_ =	shalt  }
0x86: {  	_ =	shalt  }
0x87: {  	_ =	shalt  }
.Lfunc_end0:
.L_simem_size_0:
called_computation_lowered:
.L_overlay_start_0:
0x88: {  	s2 =	sld [smem:$0x3FD9]  }
0x89: {  	s3 =	sld [smem:$0x3FFE];
	_ =	sdelay $0x1  }
0x8a: {  	s1 =	srdreg.scid  }
0x8b: {  	s0 =	sand.u32 $0x1, s1  }
0x8c: {  	s17 =	sshll.u32 s0, $0xA;
	s2 =	sadd.s32 s3, s2  }
0x8d: {  	s2 =	sadd.s32 s2, s17  }
0x8e: {  	[smem:$0x3FBA] =	sst s2  }
0x8f: {  	_ = 	snop  }
0x90: {  	s2 =	sld [smem:$0x3FD0];
	(tm) =	ssettm $0x1  }
0x91: {  	s18 =	sld [smem:$0x3FFB];
	_ =	sdelay $0x3  }
0x92: {  	_ =	strace s18  }
0x93: {  	s3 =	sld [smem:$0x3FFC];
	_ =	sdelay $0x3  }
0x94: {  	_ =	strace s3  }
0x95: {  	s3 =	sld [smem:$0x3FFD];
	_ =	sdelay $0x3  }
0x96: {  	_ =	strace s3  }
0x97: {  	_ =	strace $0x8FFFFFFF  }
0x98: {  	s19 =	sld [smem:$0x3FDB];
	_ =	sdelay $0x1  }
0x99: {  	s4 =	simm.s32 $_scs_section_size  }
0x9a: {  	s5 =	simm.s32 $_size__tile_overlayer_lowered;
	s6 =	simm.s32 $_tile_overlayer_lowered  }
0x9b: {  	s22 =	simm.s32 $0x1BFF;
	s21 =	sshll.u32 s6, $0x1;
	s3 =	sadd.s32 s4, s19  }
0x9c: {  	s7 =	simm.s32 $0x0;
	s20 =	sshll.u32 s5, $0x1;
	s5 =	sadd.s32 s21, s3  }
0x9d: {  	[timem:s7], [sflag:s22] =	dma.local [hbm:s5], s20  }
0x9e: {  	_ =	swait.ge [sflag:s22], s20  }
0x9f: {  	s4 =	ssub.s32 $0x0, s20;
	[sflag:s22] =	ssyncset.done $0x0  }
0xa0: {  	[sflag:s22] =	ssyncadd.s32 s4;
	_ =	sdelay $0x1  }
0xa1: {  	s23 =	simm.s32 $0x1B8B  }
0xa2: {  	_ =	swait.ge [sflag:s23], $0x1  }
0xa3: {  	[sflag:s23] =	ssyncset.done $0x0  }
0xa4: {  	s25 =	simm.s32 $0x1B8E;
	s24 =	sld [smem:$0x3FFE];
	[sflag:s23] =	ssyncadd.s32 $0xFFFFFFFF  }
0xa5: {  	s26 =	simm.s32 $execute0_lowered;
	[smem:$0x3FD2] =	sst s25  }
0xa6: {  	s5 =	sshll.u32 s26, $0x1;
	_ =	strace $0x80000046;
	[dreg:$0x1] =	wrdreg $0xFFFFFFFF  }
0xa7: {  	s28 =	simm.s32 $_size_execute0_lowered;
	s3 =	sadd.s32 s3, s5;
	[dreg:$0x0] =	wrdreg $0x0  }
0xa8: {  	s5 =	sshll.u32 s28, $0x1;
	[dreg:$0x2] =	wrdreg s3  }
0xa9: {  	[dreg:$0x3] =	wrdreg s5  }
0xaa: {  	[dreg:$0x4] =	wrdreg $0xC0  }
0xab: {  	_ =	task [dreg:s7], $0x5FFFF  }
0xac: {  	[dreg:$0x1] =	wrdreg $0xFFFFFFFF  }
0xad: {  	[dreg:$0x0] =	wrdreg $0x60  }
0xae: {  	[dreg:$0x2] =	wrdreg s24  }
0xaf: {  	[dreg:$0x3] =	wrdreg s2  }
0xb0: {  	[dreg:$0x4] =	wrdreg $0x9  }
0xb1: {  	_ =	task.clear_ibuf [dreg:s7], $0x5FFFF;
	_ =	strace $0x90000046  }
0xb2: {  	s29 =	simm.s32 $0x9;
	_ =	strace $0x80000048  }
0xb3: {  	_ =	swait.ge [sflag:s29], $0x1  }
0xb4: {  	[sflag:s29] =	ssyncadd.s32 $0xFFFFFFFF  }
0xb5: {  	_ =	strace $0x90000048  }
0xb6: {  	_ =	sfence  }
0xb7: {  	s30 =	sld [smem:$0x0];
	_ =	sdelay $0x2  }
0xb8: {  	s31 =	sshll.u32 s1, $0xD;
	s1 =	sshrl.u32 s1, $0x2  }
0xb9: {  	s3 =	sand.u32 $0x4000, s31;
	s1 =	sadd.s32 s1, s30  }
0xba: {  	s0 =	sor.u32 s3, s0;
	s1 =	sshll.u32 s1, $0x11  }
0xbb: {  	s0 =	sor.u32 s1, s0  }
0xbc: {  	s0 =	sadd.s32 $0x8F2B, s0  }
0xbd: {  	[sflag:s0] =	ssyncadd.remote.s32 $0x1  }
0xbe: {  	_ =	sfence.sel $0xFFFF  }
0xbf: {  	[dreg:$0x0] =	wrdreg $0xFFFFFFFF;
	(pc) =	sbr.abs _section_cstart, $3  }
0xc0: {  	[dreg:$0x1] =	wrdreg $0xFFFFFFFF  }
0xc1: {  	_ =	task.clear_ibuf [dreg:s7], $0x2FFFF;
	_ =	strace $0x9FFFFFFF  }
0xc2: {  	(tm) =	ssettm $0x7FFFFFFF  }
0xc3: {  	_ =	shalt  }
tec
execute0_lowered:
.L_overlay_start_1:
0x0: {  	(tag) =	ssettag $0x1  }
0x1: {  	s1 =	srdreg.scid  }
0x2: {  	s0 =	stileid.u32;
	s3 =	rddreg [dreg:$0x0]  }
0x3: {  	s5 =	rddreg [dreg:$0x1];
	s20 =	simm.s32 $0x1800;
	s21 =	simm.s32 $0x100  }
0x4: {  	s23 =	simm.s32 $0x2800;
	s24 =	simm.s32 $0x180;
	s25 =	simm.s32 $0x3800  }
0x5: {  	s26 =	simm.s32 $0x200;
	s7 =	simm.s32 $0x80;
	s11 =	simm.s32 $0x300  }
0x6: {  	s12 =	simm.s32 $0x6800;
	s13 =	simm.s32 $0x380;
	s14 =	simm.s32 $0x7800  }
0x7: {  	s15 =	simm.s32 $0x400;
	s16 =	simm.s32 $0x8800;
	s17 =	simm.s32 $0x480  }
0x8: {  	s18 =	simm.s32 $0x9800;
	s19 =	simm.s32 $0x500;
	s1 =	sand.u32 $0x1, s1  }
0x9: {  	p0 =	por $0x0, $0x0;
	s2 =	sshll.u32 s0, $0xC;
	s4 =	sshll.u32 s1, $0xB  }
0xa: {  	s28 =	simm.s32 $0x700;
	s4 =	sor.u32 s4, s2;
	s2 =	simm.s32 $0x0  }
0xb: {  	s29 =	simm.s32 $0xE800;
	s30 =	simm.s32 $0x780;
	[smem:$0x7FF] =	sst s2  }
0xc: {  	s1 =	ssub.s32 $0x2, s1;
	_ =	strace $0x80000047;
	[dreg:$0x5] =	wrdreg s20  }
0xd: {  	s31 =	simm.s32 $0xF800;
	s22 =	sshrl.u32 s1, $0x1;
	[dreg:$0x6] =	wrdreg s21  }
0xe: {  	s6 =	sshrl.u32 s4, $0x3;
	s4 =	sshll.u32 s4, $0x2;
	[dreg:$0x7] =	wrdreg s23  }
0xf: {  	s1 =	ssub.s32 s1, s22;
	s22 =	simm.s32 $0xB800;
	[dreg:$0x8] =	wrdreg s24  }
0x10: {  	s6 =	sadd.s32 s6, s3;
	s1 =	smax.u32 s1, $0x1;
	[dreg:$0x9] =	wrdreg s25  }
0x11: {  	s4 =	sadd.s32 s5, s4;
	[dreg:$0xa] =	wrdreg s26;
	p1 =	sne.s32 s1, $0x1  }
.Ltmp0:
0x12: {  	s20 =	simm.s32 $0xA800;
	s21 =	simm.s32 $0x580;
	(pc) =	sbr.rel @!p1 .LBB2_3-.Ltmp0, $4  }
0x13: {  	s23 =	simm.s32 $0x600;
	s24 =	simm.s32 $0xC800;
	s25 =	simm.s32 $0x680  }
0x14: {  	s26 =	simm.s32 $0xD800;
	s5 =	simm.s32 $0x1;
	s6 =	sadd.s32 $0xAC00, s6  }
0x15: {  	[dreg:$0x4] =	wrdreg s4;
	s4 =	simm.s32 $0x800;
	s8 =	sadd.s32 $0xFFFFFFFF, s1  }
0x16: {  	[dreg:$0x3] =	wrdreg s6;
	s6 =	sadd.s32 $0x2C00, s3;
	s3 =	simm.s32 $0x2  }
0x17: {  	s0 =	rddreg [dreg:$0x3]  }
0x18: {  	[tilespmem:s2], [sflag:$0x2] =	stream.linear.gather [hbm4b:s0+s2], $0x800, $0x38;
	[tilespmem:$0x10800] =	vst v63  }
0x19: {  	_ =	swait.ge [sflag:s3], $0x800  }
0x1a: {  	s10 =	rddreg [dreg:$0x6]  }
0x1b: {  	s1 =	rddreg [dreg:$0x5]  }
0x1c: {  	s0 =	rddreg [dreg:$0x7]  }
0x1d: {  	[sflag:s3] =	ssyncset.done $0x0;
	[dreg:$0xb] =	wrdreg s10  }
0x1e: {  	[sflag:s3] =	ssyncadd.s32 $0xFFFFF800;
	s10 =	rddreg [dreg:$0x9]  }
0x1f: {  	[tilespmem:s4], [sflag:$0x1] =	stream.indirect.gather [hbm4b:s6+s7], $0x20, s2, s7, $0xb8;
	[tilespmem:$0x10800] =	vst v63  }
0x20: {  	[dreg:$0xc] =	wrdreg s10  }
0x21: {  	s10 =	rddreg [dreg:$0xb]  }
0x22: {  	[tilespmem:s1], [sflag:$0x1] =	stream.indirect.gather [hbm4b:s6+s7], $0x20, s7, s7, $0xb8;
	[tilespmem:$0x10800] =	vst v63  }
0x23: {  	s1 =	rddreg [dreg:$0x8]  }
0x24: {  	[tilespmem:s0], [sflag:$0x1] =	stream.indirect.gather [hbm4b:s6+s7], $0x20, s10, s7, $0xb8;
	[tilespmem:$0x10800] =	vst v63  }
0x25: {  	s10 =	rddreg [dreg:$0xc]  }
0x26: {  	[tilespmem:s10], [sflag:$0x1] =	stream.indirect.gather [hbm4b:s6+s7], $0x20, s1, s7, $0xb8;
	[tilespmem:$0x10800] =	vst v63  }
0x27: {  	s9 =	simm.s32 $0x4800;
	s0 =	rddreg [dreg:$0xa]  }
0x28: {  	[tilespmem:s9], [sflag:$0x1] =	stream.indirect.gather [hbm4b:s6+s7], $0x20, s0, s7, $0xb8;
	[tilespmem:$0x10800] =	vst v63  }
0x29: {  	s1 =	simm.s32 $0x280;
	s9 =	simm.s32 $0x5800  }
0x2a: {  	[tilespmem:s9], [sflag:$0x1] =	stream.indirect.gather [hbm4b:s6+s7], $0x20, s1, s7, $0xb8;
	[tilespmem:$0x10800] =	vst v63  }
0x2b: {  	_ = 	snop  }
0x2c: {  	[tilespmem:s12], [sflag:$0x1] =	stream.indirect.gather [hbm4b:s6+s7], $0x20, s11, s7, $0xb8;
	[tilespmem:$0x10800] =	vst v63  }
0x2d: {  	_ = 	snop  }
0x2e: {  	[tilespmem:s14], [sflag:$0x1] =	stream.indirect.gather [hbm4b:s6+s7], $0x20, s13, s7, $0xb8;
	[tilespmem:$0x10800] =	vst v63  }
0x2f: {  	_ = 	snop  }
0x30: {  	[tilespmem:s16], [sflag:$0x1] =	stream.indirect.gather [hbm4b:s6+s7], $0x20, s15, s7, $0xb8;
	[tilespmem:$0x10800] =	vst v63  }
0x31: {  	_ = 	snop  }
0x32: {  	[tilespmem:s18], [sflag:$0x1] =	stream.indirect.gather [hbm4b:s6+s7], $0x20, s17, s7, $0xb8;
	[tilespmem:$0x10800] =	vst v63  }
0x33: {  	_ = 	snop  }
0x34: {  	[tilespmem:s20], [sflag:$0x1] =	stream.indirect.gather [hbm4b:s6+s7], $0x20, s19, s7, $0xb8;
	[tilespmem:$0x10800] =	vst v63  }
0x35: {  	_ = 	snop  }
0x36: {  	[tilespmem:s22], [sflag:$0x1] =	stream.indirect.gather [hbm4b:s6+s7], $0x20, s21, s7, $0xb8;
	[tilespmem:$0x10800] =	vst v63  }
0x37: {  	_ = 	snop  }
0x38: {  	[tilespmem:s24], [sflag:$0x1] =	stream.indirect.gather [hbm4b:s6+s7], $0x20, s23, s7, $0xb8;
	[tilespmem:$0x10800] =	vst v63  }
0x39: {  	_ = 	snop  }
0x3a: {  	[tilespmem:s26], [sflag:$0x1] =	stream.indirect.gather [hbm4b:s6+s7], $0x20, s25, s7, $0xb8;
	[tilespmem:$0x10800] =	vst v63  }
0x3b: {  	_ = 	snop  }
0x3c: {  	[tilespmem:s29], [sflag:$0x1] =	stream.indirect.gather [hbm4b:s6+s7], $0x20, s28, s7, $0xb8;
	[tilespmem:$0x10800] =	vst v63  }
0x3d: {  	_ = 	snop  }
0x3e: {  	[tilespmem:s31], [sflag:$0x1] =	stream.indirect.gather [hbm4b:s6+s7], $0x20, s30, s7, $0xb8;
	[tilespmem:$0x10800] =	vst v63  }
0x3f: {  	_ =	swait.ge [sflag:s5], $0x1000  }
0x40: {  	[sflag:s5] =	ssyncset.done $0x0  }
0x41: {  	[sflag:s5] =	ssyncadd.s32 $0xFFFFF000  }
0x42: {  	_ =	swait.ge [sflag:s5], $0x1000  }
0x43: {  	[sflag:s5] =	ssyncset.done $0x0  }
0x44: {  	[sflag:s5] =	ssyncadd.s32 $0xFFFFF000  }
0x45: {  	_ =	swait.ge [sflag:s5], $0x1000  }
0x46: {  	[sflag:s5] =	ssyncset.done $0x0  }
0x47: {  	[sflag:s5] =	ssyncadd.s32 $0xFFFFF000  }
0x48: {  	_ =	swait.ge [sflag:s5], $0x1000  }
0x49: {  	[sflag:s5] =	ssyncset.done $0x0  }
0x4a: {  	[sflag:s5] =	ssyncadd.s32 $0xFFFFF000  }
0x4b: {  	_ =	swait.ge [sflag:s5], $0x1000  }
0x4c: {  	[sflag:s5] =	ssyncset.done $0x0  }
0x4d: {  	[sflag:s5] =	ssyncadd.s32 $0xFFFFF000  }
0x4e: {  	_ =	swait.ge [sflag:s5], $0x1000  }
0x4f: {  	[sflag:s5] =	ssyncset.done $0x0  }
0x50: {  	[sflag:s5] =	ssyncadd.s32 $0xFFFFF000  }
0x51: {  	_ =	swait.ge [sflag:s5], $0x1000  }
0x52: {  	[sflag:s5] =	ssyncset.done $0x0  }
0x53: {  	[sflag:s5] =	ssyncadd.s32 $0xFFFFF000  }
0x54: {  	_ =	swait.ge [sflag:s5], $0x1000  }
0x55: {  	[sflag:s5] =	ssyncset.done $0x0  }
0x56: {  	[sflag:s5] =	ssyncadd.s32 $0xFFFFF000  }
0x57: {  	_ =	swait.ge [sflag:s5], $0x1000  }
0x58: {  	[sflag:s5] =	ssyncset.done $0x0  }
0x59: {  	[sflag:s5] =	ssyncadd.s32 $0xFFFFF000  }
0x5a: {  	_ =	swait.ge [sflag:s5], $0x1000  }
0x5b: {  	[sflag:s5] =	ssyncset.done $0x0  }
0x5c: {  	[sflag:s5] =	ssyncadd.s32 $0xFFFFF000  }
0x5d: {  	_ =	swait.ge [sflag:s5], $0x1000  }
0x5e: {  	[sflag:s5] =	ssyncset.done $0x0  }
0x5f: {  	[sflag:s5] =	ssyncadd.s32 $0xFFFFF000  }
0x60: {  	_ =	swait.ge [sflag:s5], $0x1000  }
0x61: {  	[sflag:s5] =	ssyncset.done $0x0  }
0x62: {  	[sflag:s5] =	ssyncadd.s32 $0xFFFFF000  }
0x63: {  	_ =	swait.ge [sflag:s5], $0x1000  }
0x64: {  	[sflag:s5] =	ssyncset.done $0x0  }
0x65: {  	[sflag:s5] =	ssyncadd.s32 $0xFFFFF000  }
0x66: {  	_ =	swait.ge [sflag:s5], $0x1000  }
0x67: {  	[sflag:s5] =	ssyncset.done $0x0  }
0x68: {  	[sflag:s5] =	ssyncadd.s32 $0xFFFFF000  }
0x69: {  	_ =	swait.ge [sflag:s5], $0x1000  }
0x6a: {  	p1 =	sne.s32 s8, $0x1;
	[sflag:s5] =	ssyncset.done $0x0  }
.Ltmp1:
0x6b: {  	[sflag:s5] =	ssyncadd.s32 $0xFFFFF000;
	(pc) =	sbr.rel @!p1 .LBB2_3-.Ltmp1, $4  }
0x6c: {  	_ =	swait.ge [sflag:s5], $0x1000  }
0x6d: {  	p0 =	por $0x1, $0x1;
	[sflag:s5] =	ssyncset.done $0x0  }
0x6e: {  	s1 =	sadd.s32 $0xFFFFFFFF, s8;
	s10 =	rddreg [dreg:$0x4];
	[sflag:s5] =	ssyncadd.s32 $0xFFFFF000  }
0x6f: {  	[hbm4b:s10+s2] =	stream.linear.scatter [tilespmem:s4], [sflag:$0x2], $0x10000, $0x38;
	[tilespmem:$0x10800] =	vst v63  }
.LBB2_2:
0x70: {  	_ =	swait.ge [sflag:s3], $0x10000  }
0x71: {  	[sflag:s3] =	ssyncset.done $0x0  }
0x72: {  	s0 =	rddreg [dreg:$0x3];
	[sflag:s3] =	ssyncadd.s32 $0xFFFF0000  }
0x73: {  	[tilespmem:s2], [sflag:$0x2] =	stream.linear.gather [hbm4b:s0+s2], $0x800, $0x38;
	[tilespmem:$0x10800] =	vst v63  }
0x74: {  	_ =	swait.ge [sflag:s3], $0x800  }
0x75: {  	s0 =	rddreg [dreg:$0x6];
	[sflag:s3] =	ssyncset.done $0x0  }
0x76: {  	s8 =	rddreg [dreg:$0x5];
	[sflag:s3] =	ssyncadd.s32 $0xFFFFF800  }
0x77: {  	[tilespmem:s4], [sflag:$0x1] =	stream.indirect.gather [hbm4b:s6+s7], $0x20, s2, s7, $0xb8;
	[tilespmem:$0x10800] =	vst v63  }
0x78: {  	s9 =	rddreg [dreg:$0x7]  }
0x79: {  	[tilespmem:s8], [sflag:$0x1] =	stream.indirect.gather [hbm4b:s6+s7], $0x20, s7, s7, $0xb8;
	[tilespmem:$0x10800] =	vst v63  }
0x7a: {  	s10 =	rddreg [dreg:$0x9]  }
0x7b: {  	[tilespmem:s9], [sflag:$0x1] =	stream.indirect.gather [hbm4b:s6+s7], $0x20, s0, s7, $0xb8;
	[tilespmem:$0x10800] =	vst v63  }
0x7c: {  	s8 =	rddreg [dreg:$0x8]  }
0x7d: {  	[tilespmem:s10], [sflag:$0x1] =	stream.indirect.gather [hbm4b:s6+s7], $0x20, s8, s7, $0xb8;
	[tilespmem:$0x10800] =	vst v63  }
0x7e: {  	s0 =	rddreg [dreg:$0xa];
	s8 =	simm.s32 $0x4800  }
0x7f: {  	[tilespmem:s8], [sflag:$0x1] =	stream.indirect.gather [hbm4b:s6+s7], $0x20, s0, s7, $0xb8;
	[tilespmem:$0x10800] =	vst v63  }
0x80: {  	s9 =	simm.s32 $0x280;
	s10 =	simm.s32 $0x5800  }
0x81: {  	[tilespmem:s10], [sflag:$0x1] =	stream.indirect.gather [hbm4b:s6+s7], $0x20, s9, s7, $0xb8;
	[tilespmem:$0x10800] =	vst v63  }
0x82: {  	_ = 	snop  }
0x83: {  	[tilespmem:s12], [sflag:$0x1] =	stream.indirect.gather [hbm4b:s6+s7], $0x20, s11, s7, $0xb8;
	[tilespmem:$0x10800] =	vst v63  }
0x84: {  	_ = 	snop  }
0x85: {  	[tilespmem:s14], [sflag:$0x1] =	stream.indirect.gather [hbm4b:s6+s7], $0x20, s13, s7, $0xb8;
	[tilespmem:$0x10800] =	vst v63  }
0x86: {  	_ = 	snop  }
0x87: {  	[tilespmem:s16], [sflag:$0x1] =	stream.indirect.gather [hbm4b:s6+s7], $0x20, s15, s7, $0xb8;
	[tilespmem:$0x10800] =	vst v63  }
0x88: {  	_ = 	snop  }
0x89: {  	[tilespmem:s18], [sflag:$0x1] =	stream.indirect.gather [hbm4b:s6+s7], $0x20, s17, s7, $0xb8;
	[tilespmem:$0x10800] =	vst v63  }
0x8a: {  	_ = 	snop  }
0x8b: {  	[tilespmem:s20], [sflag:$0x1] =	stream.indirect.gather [hbm4b:s6+s7], $0x20, s19, s7, $0xb8;
	[tilespmem:$0x10800] =	vst v63  }
0x8c: {  	_ = 	snop  }
0x8d: {  	[tilespmem:s22], [sflag:$0x1] =	stream.indirect.gather [hbm4b:s6+s7], $0x20, s21, s7, $0xb8;
	[tilespmem:$0x10800] =	vst v63  }
0x8e: {  	_ = 	snop  }
0x8f: {  	[tilespmem:s24], [sflag:$0x1] =	stream.indirect.gather [hbm4b:s6+s7], $0x20, s23, s7, $0xb8;
	[tilespmem:$0x10800] =	vst v63  }
0x90: {  	_ = 	snop  }
0x91: {  	[tilespmem:s26], [sflag:$0x1] =	stream.indirect.gather [hbm4b:s6+s7], $0x20, s25, s7, $0xb8;
	[tilespmem:$0x10800] =	vst v63  }
0x92: {  	_ = 	snop  }
0x93: {  	[tilespmem:s29], [sflag:$0x1] =	stream.indirect.gather [hbm4b:s6+s7], $0x20, s28, s7, $0xb8;
	[tilespmem:$0x10800] =	vst v63  }
0x94: {  	_ = 	snop  }
0x95: {  	[tilespmem:s31], [sflag:$0x1] =	stream.indirect.gather [hbm4b:s6+s7], $0x20, s30, s7, $0xb8;
	[tilespmem:$0x10800] =	vst v63  }
0x96: {  	_ =	swait.ge [sflag:s5], $0x1000  }
0x97: {  	[sflag:s5] =	ssyncset.done $0x0  }
0x98: {  	[sflag:s5] =	ssyncadd.s32 $0xFFFFF000  }
0x99: {  	_ =	swait.ge [sflag:s5], $0x1000  }
0x9a: {  	[sflag:s5] =	ssyncset.done $0x0  }
0x9b: {  	[sflag:s5] =	ssyncadd.s32 $0xFFFFF000  }
0x9c: {  	_ =	swait.ge [sflag:s5], $0x1000  }
0x9d: {  	[sflag:s5] =	ssyncset.done $0x0  }
0x9e: {  	[sflag:s5] =	ssyncadd.s32 $0xFFFFF000  }
0x9f: {  	_ =	swait.ge [sflag:s5], $0x1000  }
0xa0: {  	[sflag:s5] =	ssyncset.done $0x0  }
0xa1: {  	[sflag:s5] =	ssyncadd.s32 $0xFFFFF000  }
0xa2: {  	_ =	swait.ge [sflag:s5], $0x1000  }
0xa3: {  	[sflag:s5] =	ssyncset.done $0x0  }
0xa4: {  	[sflag:s5] =	ssyncadd.s32 $0xFFFFF000  }
0xa5: {  	_ =	swait.ge [sflag:s5], $0x1000  }
0xa6: {  	[sflag:s5] =	ssyncset.done $0x0  }
0xa7: {  	[sflag:s5] =	ssyncadd.s32 $0xFFFFF000  }
0xa8: {  	_ =	swait.ge [sflag:s5], $0x1000  }
0xa9: {  	[sflag:s5] =	ssyncset.done $0x0  }
0xaa: {  	[sflag:s5] =	ssyncadd.s32 $0xFFFFF000  }
0xab: {  	_ =	swait.ge [sflag:s5], $0x1000  }
0xac: {  	[sflag:s5] =	ssyncset.done $0x0  }
0xad: {  	[sflag:s5] =	ssyncadd.s32 $0xFFFFF000  }
0xae: {  	_ =	swait.ge [sflag:s5], $0x1000  }
0xaf: {  	[sflag:s5] =	ssyncset.done $0x0  }
0xb0: {  	[sflag:s5] =	ssyncadd.s32 $0xFFFFF000  }
0xb1: {  	_ =	swait.ge [sflag:s5], $0x1000  }
0xb2: {  	[sflag:s5] =	ssyncset.done $0x0  }
0xb3: {  	[sflag:s5] =	ssyncadd.s32 $0xFFFFF000  }
0xb4: {  	_ =	swait.ge [sflag:s5], $0x1000  }
0xb5: {  	[sflag:s5] =	ssyncset.done $0x0  }
0xb6: {  	[sflag:s5] =	ssyncadd.s32 $0xFFFFF000  }
0xb7: {  	_ =	swait.ge [sflag:s5], $0x1000  }
0xb8: {  	[sflag:s5] =	ssyncset.done $0x0  }
0xb9: {  	[sflag:s5] =	ssyncadd.s32 $0xFFFFF000  }
0xba: {  	_ =	swait.ge [sflag:s5], $0x1000  }
0xbb: {  	[sflag:s5] =	ssyncset.done $0x0  }
0xbc: {  	[sflag:s5] =	ssyncadd.s32 $0xFFFFF000  }
0xbd: {  	_ =	swait.ge [sflag:s5], $0x1000  }
0xbe: {  	[sflag:s5] =	ssyncset.done $0x0  }
0xbf: {  	[sflag:s5] =	ssyncadd.s32 $0xFFFFF000  }
0xc0: {  	_ =	swait.ge [sflag:s5], $0x1000  }
0xc1: {  	p1 =	sne.s32 s1, $0x1;
	[sflag:s5] =	ssyncset.done $0x0  }
.Ltmp2:
0xc2: {  	[sflag:s5] =	ssyncadd.s32 $0xFFFFF000;
	(pc) =	sbr.rel @p1 .LBB2_2-.Ltmp2, $4  }
0xc3: {  	_ =	swait.ge [sflag:s5], $0x1000  }
0xc4: {  	[sflag:s5] =	ssyncset.done $0x0  }
0xc5: {  	s1 =	sadd.s32 $0xFFFFFFFF, s1;
	s10 =	rddreg [dreg:$0x4];
	[sflag:s5] =	ssyncadd.s32 $0xFFFFF000  }
0xc6: {  	[hbm4b:s10+s2] =	stream.linear.scatter [tilespmem:s4], [sflag:$0x2], $0x10000, $0x38;
	[tilespmem:$0x10800] =	vst v63  }
.LBB2_3:
0xc7: {  	_ =	swait.ge @p0 [sflag:s3], $0x10000  }
0xc8: {  	[sflag:s3] =	ssyncset.done @p0 $0x0  }
0xc9: {  	s0 =	rddreg [dreg:$0x3];
	[sflag:s3] =	ssyncadd.s32 @p0 $0xFFFF0000  }
0xca: {  	[tilespmem:s2], [sflag:$0x2] =	stream.linear.gather [hbm4b:s0+s2], $0x800, $0x38;
	[tilespmem:$0x10800] =	vst v63  }
0xcb: {  	_ =	swait.ge [sflag:s3], $0x800  }
0xcc: {  	[sflag:s3] =	ssyncset.done $0x0;
	s10 =	rddreg [dreg:$0x5]  }
0xcd: {  	s0 =	rddreg [dreg:$0x6];
	[sflag:s3] =	ssyncadd.s32 $0xFFFFF800  }
0xce: {  	[tilespmem:s4], [sflag:$0x1] =	stream.indirect.gather [hbm4b:s6+s7], $0x20, s2, s7, $0xb8;
	[tilespmem:$0x10800] =	vst v63  }
0xcf: {  	s1 =	rddreg [dreg:$0x7]  }
0xd0: {  	[tilespmem:s10], [sflag:$0x1] =	stream.indirect.gather [hbm4b:s6+s7], $0x20, s7, s7, $0xb8;
	[tilespmem:$0x10800] =	vst v63  }
0xd1: {  	s8 =	rddreg [dreg:$0x9]  }
0xd2: {  	[tilespmem:s1], [sflag:$0x1] =	stream.indirect.gather [hbm4b:s6+s7], $0x20, s0, s7, $0xb8;
	[tilespmem:$0x10800] =	vst v63  }
0xd3: {  	s9 =	rddreg [dreg:$0x8]  }
0xd4: {  	[tilespmem:s8], [sflag:$0x1] =	stream.indirect.gather [hbm4b:s6+s7], $0x20, s9, s7, $0xb8;
	[tilespmem:$0x10800] =	vst v63  }
0xd5: {  	s10 =	simm.s32 $0x4800;
	s1 =	rddreg [dreg:$0xa]  }
0xd6: {  	[tilespmem:s10], [sflag:$0x1] =	stream.indirect.gather [hbm4b:s6+s7], $0x20, s1, s7, $0xb8;
	[tilespmem:$0x10800] =	vst v63  }
0xd7: {  	s9 =	simm.s32 $0x5800;
	s10 =	simm.s32 $0x280  }
0xd8: {  	[tilespmem:s9], [sflag:$0x1] =	stream.indirect.gather [hbm4b:s6+s7], $0x20, s10, s7, $0xb8;
	[tilespmem:$0x10800] =	vst v63  }
0xd9: {  	_ = 	snop  }
0xda: {  	[tilespmem:s12], [sflag:$0x1] =	stream.indirect.gather [hbm4b:s6+s7], $0x20, s11, s7, $0xb8;
	[tilespmem:$0x10800] =	vst v63  }
0xdb: {  	_ = 	snop  }
0xdc: {  	[tilespmem:s14], [sflag:$0x1] =	stream.indirect.gather [hbm4b:s6+s7], $0x20, s13, s7, $0xb8;
	[tilespmem:$0x10800] =	vst v63  }
0xdd: {  	_ = 	snop  }
0xde: {  	[tilespmem:s16], [sflag:$0x1] =	stream.indirect.gather [hbm4b:s6+s7], $0x20, s15, s7, $0xb8;
	[tilespmem:$0x10800] =	vst v63  }
0xdf: {  	_ = 	snop  }
0xe0: {  	[tilespmem:s18], [sflag:$0x1] =	stream.indirect.gather [hbm4b:s6+s7], $0x20, s17, s7, $0xb8;
	[tilespmem:$0x10800] =	vst v63  }
0xe1: {  	_ = 	snop  }
0xe2: {  	[tilespmem:s20], [sflag:$0x1] =	stream.indirect.gather [hbm4b:s6+s7], $0x20, s19, s7, $0xb8;
	[tilespmem:$0x10800] =	vst v63  }
0xe3: {  	_ = 	snop  }
0xe4: {  	[tilespmem:s22], [sflag:$0x1] =	stream.indirect.gather [hbm4b:s6+s7], $0x20, s21, s7, $0xb8;
	[tilespmem:$0x10800] =	vst v63  }
0xe5: {  	_ = 	snop  }
0xe6: {  	[tilespmem:s24], [sflag:$0x1] =	stream.indirect.gather [hbm4b:s6+s7], $0x20, s23, s7, $0xb8;
	[tilespmem:$0x10800] =	vst v63  }
0xe7: {  	_ = 	snop  }
0xe8: {  	[tilespmem:s26], [sflag:$0x1] =	stream.indirect.gather [hbm4b:s6+s7], $0x20, s25, s7, $0xb8;
	[tilespmem:$0x10800] =	vst v63  }
0xe9: {  	_ = 	snop  }
0xea: {  	[tilespmem:s29], [sflag:$0x1] =	stream.indirect.gather [hbm4b:s6+s7], $0x20, s28, s7, $0xb8;
	[tilespmem:$0x10800] =	vst v63  }
0xeb: {  	_ = 	snop  }
0xec: {  	[tilespmem:s31], [sflag:$0x1] =	stream.indirect.gather [hbm4b:s6+s7], $0x20, s30, s7, $0xb8;
	[tilespmem:$0x10800] =	vst v63  }
0xed: {  	_ =	swait.ge [sflag:s5], $0x1000  }
0xee: {  	[sflag:s5] =	ssyncset.done $0x0  }
0xef: {  	[sflag:s5] =	ssyncadd.s32 $0xFFFFF000  }
0xf0: {  	_ =	swait.ge [sflag:s5], $0x1000  }
0xf1: {  	[sflag:s5] =	ssyncset.done $0x0  }
0xf2: {  	[sflag:s5] =	ssyncadd.s32 $0xFFFFF000  }
0xf3: {  	_ =	swait.ge [sflag:s5], $0x1000  }
0xf4: {  	[sflag:s5] =	ssyncset.done $0x0  }
0xf5: {  	[sflag:s5] =	ssyncadd.s32 $0xFFFFF000  }
0xf6: {  	_ =	swait.ge [sflag:s5], $0x1000  }
0xf7: {  	[sflag:s5] =	ssyncset.done $0x0  }
0xf8: {  	[sflag:s5] =	ssyncadd.s32 $0xFFFFF000  }
0xf9: {  	_ =	swait.ge [sflag:s5], $0x1000  }
0xfa: {  	[sflag:s5] =	ssyncset.done $0x0  }
0xfb: {  	[sflag:s5] =	ssyncadd.s32 $0xFFFFF000  }
0xfc: {  	_ =	swait.ge [sflag:s5], $0x1000  }
0xfd: {  	[sflag:s5] =	ssyncset.done $0x0  }
0xfe: {  	[sflag:s5] =	ssyncadd.s32 $0xFFFFF000  }
0xff: {  	_ =	swait.ge [sflag:s5], $0x1000  }
0x100: {  	[sflag:s5] =	ssyncset.done $0x0  }
0x101: {  	[sflag:s5] =	ssyncadd.s32 $0xFFFFF000  }
0x102: {  	_ =	swait.ge [sflag:s5], $0x1000  }
0x103: {  	[sflag:s5] =	ssyncset.done $0x0  }
0x104: {  	[sflag:s5] =	ssyncadd.s32 $0xFFFFF000  }
0x105: {  	_ =	swait.ge [sflag:s5], $0x1000  }
0x106: {  	[sflag:s5] =	ssyncset.done $0x0  }
0x107: {  	[sflag:s5] =	ssyncadd.s32 $0xFFFFF000  }
0x108: {  	_ =	swait.ge [sflag:s5], $0x1000  }
0x109: {  	[sflag:s5] =	ssyncset.done $0x0  }
0x10a: {  	[sflag:s5] =	ssyncadd.s32 $0xFFFFF000  }
0x10b: {  	_ =	swait.ge [sflag:s5], $0x1000  }
0x10c: {  	[sflag:s5] =	ssyncset.done $0x0  }
0x10d: {  	[sflag:s5] =	ssyncadd.s32 $0xFFFFF000  }
0x10e: {  	_ =	swait.ge [sflag:s5], $0x1000  }
0x10f: {  	[sflag:s5] =	ssyncset.done $0x0  }
0x110: {  	[sflag:s5] =	ssyncadd.s32 $0xFFFFF000  }
0x111: {  	_ =	swait.ge [sflag:s5], $0x1000  }
0x112: {  	[sflag:s5] =	ssyncset.done $0x0  }
0x113: {  	[sflag:s5] =	ssyncadd.s32 $0xFFFFF000  }
0x114: {  	_ =	swait.ge [sflag:s5], $0x1000  }
0x115: {  	[sflag:s5] =	ssyncset.done $0x0  }
0x116: {  	[sflag:s5] =	ssyncadd.s32 $0xFFFFF000  }
0x117: {  	_ =	swait.ge [sflag:s5], $0x1000  }
0x118: {  	[sflag:s5] =	ssyncset.done $0x0  }
0x119: {  	[sflag:s5] =	ssyncadd.s32 $0xFFFFF000  }
0x11a: {  	_ =	swait.ge [sflag:s5], $0x1000  }
0x11b: {  	[sflag:s5] =	ssyncset.done $0x0  }
0x11c: {  	s30 =	rddreg [dreg:$0x4];
	[sflag:s5] =	ssyncadd.s32 $0xFFFFF000  }
0x11d: {  	[hbm4b:s30+s2] =	stream.linear.scatter [tilespmem:s4], [sflag:$0x2], $0x10000, $0x38;
	[tilespmem:$0x10800] =	vst v63  }
0x11e: {  	_ =	swait.ge [sflag:s3], $0x10000  }
0x11f: {  	[sflag:s3] =	ssyncset.done $0x0  }
0x120: {  	[sflag:s3] =	ssyncadd.s32 $0xFFFF0000  }
0x121: {  	_ =	sfence.sel $0x180000  }
0x122: {  	[bflag:$0x0] =	sbarrier.arrive $0xFFFF  }
0x123: {  	_ =	strace $0x90000047  }
0x124: {  	s31 =	stileid.u32;
	[bflag:$0x2] =	sbarrier.arrive $0xFFFF  }
0x125: {  	p0 =	sne.s32 s31, $0x0;
	s0 =	rddreg [dreg:$0x2]  }
0x126: {  	s0 =	sadd.s32 @!p0 $0x100000, s0  }
0x127: {  	[sflag:s0] =	ssyncadd.tile.s32 @!p0 $0x1;
	_ =	shalt  }
.Lfunc_end2:
_tile_overlayer_lowered:
.L_overlay_start_2:
0x128: {  	(tag) =	ssettag $0x2  }
0x129: {  	s0 =	rddreg [dreg:$0x0];
	s2 =	stileid.u32  }
0x12a: {  	s1 =	rddreg [dreg:$0x1];
	p0 =	sne.s32 s2, $0x0  }
0x12b: {  	s3 =	rddreg [dreg:$0x2];
	[bflag:$0x3] =	sbarrier.arrive $0xFFFF;
	s2 =	simm.s32 @!p0 $0x1C02  }
0x12c: {  	[timem:s3], [sflag:s2] =	dma.local @!p0 [hbm:s0], s1  }
0x12d: {  	s0 =	simm.s32 @!p0 $0x2  }
0x12e: {  	_ =	swait.ge @!p0 [sflag:s0], s1  }
0x12f: {  	s1 =	ssub.s32 @!p0 $0x0, s1;
	[sflag:s0] =	ssyncset.done @!p0 $0x0  }
0x130: {  	[sflag:s0] =	ssyncadd.s32 @!p0 s1  }
0x131: {  	[bflag:$0x3] =	sbarrier.arrive $0xFFFF  }
0x132: {  	_ =	shalt  }

</sc_bundles>
